<compile_context>
chip_gen: v7x
topology: tpu7x:2x2x1
jax: 0.10.2.dev20260603
libtpu: 0.0.44.dev20260713+nightly
codegen_flags: <defaults>
</compile_context>

<pallas_src>
import functools

import jax
import jax.numpy as jnp
from jax import lax
from jax.experimental import pallas as pl
from jax.experimental.pallas import tpu as pltpu
from jax.experimental.pallas import tpu_sc as plsc

NC = 2
NS = 16
NW = NC * NS
CHUNK = 80


K = 1
SETS = 8


@functools.partial(jax.jit, static_argnames=("b_per_w", "n_chunks"))
def _embed(xf, w, *, b_per_w, n_chunks):
    B = xf.shape[0]
    D = w.shape[1]
    per_iter = SETS * K
    n_iters = n_chunks // per_iter
    mesh = plsc.VectorSubcoreMesh(core_axis_name="c", subcore_axis_name="s")

    @functools.partial(
        pl.kernel,
        out_type=jax.ShapeDtypeStruct((B, D), jnp.float32),
        mesh=mesh,
        scratch_types=[
            pltpu.VMEM((b_per_w,), jnp.int32),
            pltpu.VMEM((SETS, K, CHUNK, D), jnp.float32),
        ] + [pltpu.SemaphoreType.DMA] * (2 * SETS),
    )
    def body(idx_hbm, tbl_hbm, out_hbm, idx_v, rows, *sems):
        gsem = sems[:SETS]
        ssem = sems[SETS:]
        wid = lax.axis_index("s") * NC + lax.axis_index("c")
        base = wid * b_per_w
        pltpu.sync_copy(idx_hbm.at[pl.ds(base, b_per_w)], idx_v)

        def fire_gathers(c0, s):
            return [
                pltpu.async_copy(
                    tbl_hbm.at[idx_v.at[pl.ds((c0 + s * K + k) * CHUNK, CHUNK)]],
                    rows.at[s, k], gsem[s])
                for k in range(K)
            ]

        def fire_stores(c0, s):
            return [
                pltpu.async_copy(
                    rows.at[s, k],
                    out_hbm.at[pl.ds(base + (c0 + s * K + k) * CHUNK, CHUNK)],
                    ssem[s])
                for k in range(K)
            ]

        def drain_stores(s):
            for k in range(K):
                pltpu.make_async_copy(
                    rows.at[s, k], out_hbm.at[pl.ds(base, CHUNK)],
                    ssem[s]).wait()

        gd = [fire_gathers(0, s) for s in range(SETS)]
        for s in range(SETS):
            for d in gd[s]:
                d.wait()
            fire_stores(0, s)

        def iter_body(i, carry):
            c0 = i * per_iter
            gd = []
            for s in range(SETS):
                drain_stores(s)
                gd.append(fire_gathers(c0, s))
            for s in range(SETS):
                for d in gd[s]:
                    d.wait()
                fire_stores(c0, s)
            return carry

        lax.fori_loop(1, n_iters, iter_body, 0)
        for s in range(SETS):
            drain_stores(s)

    return body(xf, w)


def kernel(x, w):
    B = x.shape[0] * x.shape[1]
    D = w.shape[1]
    b_per_w = B // NW
    n_chunks = b_per_w // CHUNK
    xf = x.reshape(B).astype(jnp.int32)
    out = _embed(xf, w, b_per_w=b_per_w, n_chunks=n_chunks)
    return out.reshape(x.shape[0], x.shape[1], D)

# --- scband reference (transcript-rebuilt; emitter-appended) ---
"""Pipeline reference for scband-embed-8366596292925 (READ-ONLY COPY).

The authoritative reference and input builder live on the scoring server;
editing this copy changes nothing except your own understanding.
"""

import jax, jax.numpy as jnp
import numpy as np

EMBED_NUM = 100000
EMBED_DIM = 128
STD = 0.02


def setup_inputs(seed: int = 0) -> dict:
    key = jax.random.key(seed)
    k_idx, k_w = jax.random.split(key)
    x = jax.random.randint(k_idx, (4096, 200), 0, EMBED_NUM, dtype=jnp.int64 if jax.config.jax_enable_x64 else jnp.int32)
    # truncated normal init with std=STD (truncated at +/-2 std, like torch trunc_normal)
    w = jax.random.truncated_normal(k_w, -2.0, 2.0, (EMBED_NUM, EMBED_DIM), dtype=jnp.float32) * STD
    return {"x": x, "w": w}


def reference(x, w):
    # torch.nn.functional.embedding(x, w) == row-gather from the table
    return jnp.take(w, x, axis=0)

if __name__ == "__main__":
    import jax
    _d = setup_inputs()
    print(jax.jit(kernel)(*tuple(_d.values())))

</pallas_src>

<mosaic_0001>
#map = affine_map<(d0, d1) -> (0)>
#map1 = affine_map<(d0, d1) -> (0, 0)>
module attributes {stable_mosaic.version = 14 : i64} {
  func.func @body(%arg0: i32, %arg1: i32, %arg2: memref<819200xi32, #tpu.memory_space<hbm>>, %arg3: memref<100000x128xf32, #tpu.memory_space<hbm>>, %arg4: memref<819200x128xf32, #tpu.memory_space<hbm>>, %arg5: memref<25600xi32, #tpu.memory_space<vmem>>, %arg6: memref<8x1x80x128xf32, #tpu.memory_space<vmem>>, %arg7: memref<!tpu.dma_semaphore, #tpu.memory_space<semaphore_mem>>, %arg8: memref<!tpu.dma_semaphore, #tpu.memory_space<semaphore_mem>>, %arg9: memref<!tpu.dma_semaphore, #tpu.memory_space<semaphore_mem>>, %arg10: memref<!tpu.dma_semaphore, #tpu.memory_space<semaphore_mem>>, %arg11: memref<!tpu.dma_semaphore, #tpu.memory_space<semaphore_mem>>, %arg12: memref<!tpu.dma_semaphore, #tpu.memory_space<semaphore_mem>>, %arg13: memref<!tpu.dma_semaphore, #tpu.memory_space<semaphore_mem>>, %arg14: memref<!tpu.dma_semaphore, #tpu.memory_space<semaphore_mem>>, %arg15: memref<!tpu.dma_semaphore, #tpu.memory_space<semaphore_mem>>, %arg16: memref<!tpu.dma_semaphore, #tpu.memory_space<semaphore_mem>>, %arg17: memref<!tpu.dma_semaphore, #tpu.memory_space<semaphore_mem>>, %arg18: memref<!tpu.dma_semaphore, #tpu.memory_space<semaphore_mem>>, %arg19: memref<!tpu.dma_semaphore, #tpu.memory_space<semaphore_mem>>, %arg20: memref<!tpu.dma_semaphore, #tpu.memory_space<semaphore_mem>>, %arg21: memref<!tpu.dma_semaphore, #tpu.memory_space<semaphore_mem>>, %arg22: memref<!tpu.dma_semaphore, #tpu.memory_space<semaphore_mem>>) attributes {dimension_semantics = [#tpu.dimension_semantics<core_parallel>, #tpu.dimension_semantics<subcore_parallel>], iteration_bounds = array<i64: 2, 16>, scalar_prefetch = 0 : i64, scratch_operands = 18 : i64, tpu.core_type = #tpu.core_type<sc_vector_subcore>, window_params = [{transform_indices = #map}, {transform_indices = #map1}, {transform_indices = #map1}]} {
    %mul3A = arith.constant 2 : i32
    %mul3A_0 = arith.muli %arg1, %mul3A : i32
    %add3A = arith.addi %mul3A_0, %arg0 : i32
    %mul3A_1 = arith.constant 25600 : i32
    %mul3A_2 = arith.muli %add3A, %mul3A_1 : i32
    "tpu.region"() ({
      %run_scoped3A = tpu.sem_alloc : memref<!tpu.dma_semaphore, #tpu.memory_space<semaphore_mem>>
      %dma_start3A_422 = tpu.memref_slice %arg2[%mul3A_2] : memref<819200xi32, #tpu.memory_space<hbm>> -> memref<25600xi32, #tpu.memory_space<hbm>>
      %dma_start3A_423 = tpu.memref_slice %arg2[%mul3A_2] : memref<819200xi32, #tpu.memory_space<hbm>> -> memref<25600xi32, #tpu.memory_space<hbm>>
      tpu.enqueue_dma source(%dma_start3A_423 : memref<25600xi32, #tpu.memory_space<hbm>>) target(%arg5 : memref<25600xi32, #tpu.memory_space<vmem>>) target_semaphore(%run_scoped3A : memref<!tpu.dma_semaphore, #tpu.memory_space<semaphore_mem>>)
      %dma_wait3A_424 = tpu.memref_slice %arg2[%mul3A_2] : memref<819200xi32, #tpu.memory_space<hbm>> -> memref<25600xi32, #tpu.memory_space<hbm>>
      %dma_wait3A_425 = tpu.memref_slice %arg2[%mul3A_2] : memref<819200xi32, #tpu.memory_space<hbm>> -> memref<25600xi32, #tpu.memory_space<hbm>>
      tpu.wait_dma2 semaphore(%run_scoped3A : memref<!tpu.dma_semaphore, #tpu.memory_space<semaphore_mem>>) src(%dma_wait3A_425 : memref<25600xi32, #tpu.memory_space<hbm>>) dst(%arg5 : memref<25600xi32, #tpu.memory_space<vmem>>)
      tpu.yield
    }) : () -> ()
    %dma_start3A = arith.constant 0 : i32
    %dma_start3A_3 = arith.constant 0 : i32
    %dma_start3A_4 = arith.constant 0 : i32
    %dma_start3A_5 = arith.constant 0 : i32
    %dma_start3A_6 = tpu.memref_slice %arg6[%dma_start3A, %dma_start3A_3, %dma_start3A_4, %dma_start3A_5] : memref<8x1x80x128xf32, #tpu.memory_space<vmem>> -> memref<1x1x80x128xf32, #tpu.memory_space<vmem>>
    %dma_start3A_7 = tpu.memref_squeeze %dma_start3A_6 : memref<1x1x80x128xf32, #tpu.memory_space<vmem>> -> memref<80x128xf32, #tpu.memory_space<vmem>>
    %dma_start3A_8 = arith.constant 0 : i32
    %dma_start3A_9 = tpu.memref_slice %arg5[%dma_start3A_8] : memref<25600xi32, #tpu.memory_space<vmem>> -> memref<80xi32, #tpu.memory_space<vmem>>
    %dma_start3A_10 = arith.constant 0 : i32
    %dma_start3A_11 = arith.constant 0 : i32
    %dma_start3A_12 = tpu.memref_slice %arg3[%dma_start3A_10, %dma_start3A_11] : memref<100000x128xf32, #tpu.memory_space<hbm>> -> memref<100000x128xf32, #tpu.memory_space<hbm>>
    tpu.enqueue_indirect_dma source(%dma_start3A_12 : memref<100000x128xf32, #tpu.memory_space<hbm>>) target(%dma_start3A_7 : memref<80x128xf32, #tpu.memory_space<vmem>>) offsets(%dma_start3A_9 : memref<80xi32, #tpu.memory_space<vmem>>) semaphore(%arg7 : memref<!tpu.dma_semaphore, #tpu.memory_space<semaphore_mem>>)
    %dma_start3A_13 = arith.constant 1 : i32
    %dma_start3A_14 = arith.constant 0 : i32
    %dma_start3A_15 = arith.constant 0 : i32
    %dma_start3A_16 = arith.constant 0 : i32
    %dma_start3A_17 = tpu.memref_slice %arg6[%dma_start3A_13, %dma_start3A_14, %dma_start3A_15, %dma_start3A_16] : memref<8x1x80x128xf32, #tpu.memory_space<vmem>> -> memref<1x1x80x128xf32, #tpu.memory_space<vmem>>
    %dma_start3A_18 = tpu.memref_squeeze %dma_start3A_17 : memref<1x1x80x128xf32, #tpu.memory_space<vmem>> -> memref<80x128xf32, #tpu.memory_space<vmem>>
    %dma_start3A_19 = arith.constant 80 : i32
    %dma_start3A_20 = tpu.memref_slice %arg5[%dma_start3A_19] : memref<25600xi32, #tpu.memory_space<vmem>> -> memref<80xi32, #tpu.memory_space<vmem>>
    %dma_start3A_21 = arith.constant 0 : i32
    %dma_start3A_22 = arith.constant 0 : i32
    %dma_start3A_23 = tpu.memref_slice %arg3[%dma_start3A_21, %dma_start3A_22] : memref<100000x128xf32, #tpu.memory_space<hbm>> -> memref<100000x128xf32, #tpu.memory_space<hbm>>
    tpu.enqueue_indirect_dma source(%dma_start3A_23 : memref<100000x128xf32, #tpu.memory_space<hbm>>) target(%dma_start3A_18 : memref<80x128xf32, #tpu.memory_space<vmem>>) offsets(%dma_start3A_20 : memref<80xi32, #tpu.memory_space<vmem>>) semaphore(%arg8 : memref<!tpu.dma_semaphore, #tpu.memory_space<semaphore_mem>>)
    %dma_start3A_24 = arith.constant 2 : i32
    %dma_start3A_25 = arith.constant 0 : i32
    %dma_start3A_26 = arith.constant 0 : i32
    %dma_start3A_27 = arith.constant 0 : i32
    %dma_start3A_28 = tpu.memref_slice %arg6[%dma_start3A_24, %dma_start3A_25, %dma_start3A_26, %dma_start3A_27] : memref<8x1x80x128xf32, #tpu.memory_space<vmem>> -> memref<1x1x80x128xf32, #tpu.memory_space<vmem>>
    %dma_start3A_29 = tpu.memref_squeeze %dma_start3A_28 : memref<1x1x80x128xf32, #tpu.memory_space<vmem>> -> memref<80x128xf32, #tpu.memory_space<vmem>>
    %dma_start3A_30 = arith.constant 160 : i32
    %dma_start3A_31 = tpu.memref_slice %arg5[%dma_start3A_30] : memref<25600xi32, #tpu.memory_space<vmem>> -> memref<80xi32, #tpu.memory_space<vmem>>
    %dma_start3A_32 = arith.constant 0 : i32
    %dma_start3A_33 = arith.constant 0 : i32
    %dma_start3A_34 = tpu.memref_slice %arg3[%dma_start3A_32, %dma_start3A_33] : memref<100000x128xf32, #tpu.memory_space<hbm>> -> memref<100000x128xf32, #tpu.memory_space<hbm>>
    tpu.enqueue_indirect_dma source(%dma_start3A_34 : memref<100000x128xf32, #tpu.memory_space<hbm>>) target(%dma_start3A_29 : memref<80x128xf32, #tpu.memory_space<vmem>>) offsets(%dma_start3A_31 : memref<80xi32, #tpu.memory_space<vmem>>) semaphore(%arg9 : memref<!tpu.dma_semaphore, #tpu.memory_space<semaphore_mem>>)
    %dma_start3A_35 = arith.constant 3 : i32
    %dma_start3A_36 = arith.constant 0 : i32
    %dma_start3A_37 = arith.constant 0 : i32
    %dma_start3A_38 = arith.constant 0 : i32
    %dma_start3A_39 = tpu.memref_slice %arg6[%dma_start3A_35, %dma_start3A_36, %dma_start3A_37, %dma_start3A_38] : memref<8x1x80x128xf32, #tpu.memory_space<vmem>> -> memref<1x1x80x128xf32, #tpu.memory_space<vmem>>
    %dma_start3A_40 = tpu.memref_squeeze %dma_start3A_39 : memref<1x1x80x128xf32, #tpu.memory_space<vmem>> -> memref<80x128xf32, #tpu.memory_space<vmem>>
    %dma_start3A_41 = arith.constant 240 : i32
    %dma_start3A_42 = tpu.memref_slice %arg5[%dma_start3A_41] : memref<25600xi32, #tpu.memory_space<vmem>> -> memref<80xi32, #tpu.memory_space<vmem>>
    %dma_start3A_43 = arith.constant 0 : i32
    %dma_start3A_44 = arith.constant 0 : i32
    %dma_start3A_45 = tpu.memref_slice %arg3[%dma_start3A_43, %dma_start3A_44] : memref<100000x128xf32, #tpu.memory_space<hbm>> -> memref<100000x128xf32, #tpu.memory_space<hbm>>
    tpu.enqueue_indirect_dma source(%dma_start3A_45 : memref<100000x128xf32, #tpu.memory_space<hbm>>) target(%dma_start3A_40 : memref<80x128xf32, #tpu.memory_space<vmem>>) offsets(%dma_start3A_42 : memref<80xi32, #tpu.memory_space<vmem>>) semaphore(%arg10 : memref<!tpu.dma_semaphore, #tpu.memory_space<semaphore_mem>>)
    %dma_start3A_46 = arith.constant 4 : i32
    %dma_start3A_47 = arith.constant 0 : i32
    %dma_start3A_48 = arith.constant 0 : i32
    %dma_start3A_49 = arith.constant 0 : i32
    %dma_start3A_50 = tpu.memref_slice %arg6[%dma_start3A_46, %dma_start3A_47, %dma_start3A_48, %dma_start3A_49] : memref<8x1x80x128xf32, #tpu.memory_space<vmem>> -> memref<1x1x80x128xf32, #tpu.memory_space<vmem>>
    %dma_start3A_51 = tpu.memref_squeeze %dma_start3A_50 : memref<1x1x80x128xf32, #tpu.memory_space<vmem>> -> memref<80x128xf32, #tpu.memory_space<vmem>>
    %dma_start3A_52 = arith.constant 320 : i32
    %dma_start3A_53 = tpu.memref_slice %arg5[%dma_start3A_52] : memref<25600xi32, #tpu.memory_space<vmem>> -> memref<80xi32, #tpu.memory_space<vmem>>
    %dma_start3A_54 = arith.constant 0 : i32
    %dma_start3A_55 = arith.constant 0 : i32
    %dma_start3A_56 = tpu.memref_slice %arg3[%dma_start3A_54, %dma_start3A_55] : memref<100000x128xf32, #tpu.memory_space<hbm>> -> memref<100000x128xf32, #tpu.memory_space<hbm>>
    tpu.enqueue_indirect_dma source(%dma_start3A_56 : memref<100000x128xf32, #tpu.memory_space<hbm>>) target(%dma_start3A_51 : memref<80x128xf32, #tpu.memory_space<vmem>>) offsets(%dma_start3A_53 : memref<80xi32, #tpu.memory_space<vmem>>) semaphore(%arg11 : memref<!tpu.dma_semaphore, #tpu.memory_space<semaphore_mem>>)
    %dma_start3A_57 = arith.constant 5 : i32
    %dma_start3A_58 = arith.constant 0 : i32
    %dma_start3A_59 = arith.constant 0 : i32
    %dma_start3A_60 = arith.constant 0 : i32
    %dma_start3A_61 = tpu.memref_slice %arg6[%dma_start3A_57, %dma_start3A_58, %dma_start3A_59, %dma_start3A_60] : memref<8x1x80x128xf32, #tpu.memory_space<vmem>> -> memref<1x1x80x128xf32, #tpu.memory_space<vmem>>
    %dma_start3A_62 = tpu.memref_squeeze %dma_start3A_61 : memref<1x1x80x128xf32, #tpu.memory_space<vmem>> -> memref<80x128xf32, #tpu.memory_space<vmem>>
    %dma_start3A_63 = arith.constant 400 : i32
    %dma_start3A_64 = tpu.memref_slice %arg5[%dma_start3A_63] : memref<25600xi32, #tpu.memory_space<vmem>> -> memref<80xi32, #tpu.memory_space<vmem>>
    %dma_start3A_65 = arith.constant 0 : i32
    %dma_start3A_66 = arith.constant 0 : i32
    %dma_start3A_67 = tpu.memref_slice %arg3[%dma_start3A_65, %dma_start3A_66] : memref<100000x128xf32, #tpu.memory_space<hbm>> -> memref<100000x128xf32, #tpu.memory_space<hbm>>
    tpu.enqueue_indirect_dma source(%dma_start3A_67 : memref<100000x128xf32, #tpu.memory_space<hbm>>) target(%dma_start3A_62 : memref<80x128xf32, #tpu.memory_space<vmem>>) offsets(%dma_start3A_64 : memref<80xi32, #tpu.memory_space<vmem>>) semaphore(%arg12 : memref<!tpu.dma_semaphore, #tpu.memory_space<semaphore_mem>>)
    %dma_start3A_68 = arith.constant 6 : i32
    %dma_start3A_69 = arith.constant 0 : i32
    %dma_start3A_70 = arith.constant 0 : i32
    %dma_start3A_71 = arith.constant 0 : i32
    %dma_start3A_72 = tpu.memref_slice %arg6[%dma_start3A_68, %dma_start3A_69, %dma_start3A_70, %dma_start3A_71] : memref<8x1x80x128xf32, #tpu.memory_space<vmem>> -> memref<1x1x80x128xf32, #tpu.memory_space<vmem>>
    %dma_start3A_73 = tpu.memref_squeeze %dma_start3A_72 : memref<1x1x80x128xf32, #tpu.memory_space<vmem>> -> memref<80x128xf32, #tpu.memory_space<vmem>>
    %dma_start3A_74 = arith.constant 480 : i32
    %dma_start3A_75 = tpu.memref_slice %arg5[%dma_start3A_74] : memref<25600xi32, #tpu.memory_space<vmem>> -> memref<80xi32, #tpu.memory_space<vmem>>
    %dma_start3A_76 = arith.constant 0 : i32
    %dma_start3A_77 = arith.constant 0 : i32
    %dma_start3A_78 = tpu.memref_slice %arg3[%dma_start3A_76, %dma_start3A_77] : memref<100000x128xf32, #tpu.memory_space<hbm>> -> memref<100000x128xf32, #tpu.memory_space<hbm>>
    tpu.enqueue_indirect_dma source(%dma_start3A_78 : memref<100000x128xf32, #tpu.memory_space<hbm>>) target(%dma_start3A_73 : memref<80x128xf32, #tpu.memory_space<vmem>>) offsets(%dma_start3A_75 : memref<80xi32, #tpu.memory_space<vmem>>) semaphore(%arg13 : memref<!tpu.dma_semaphore, #tpu.memory_space<semaphore_mem>>)
    %dma_start3A_79 = arith.constant 7 : i32
    %dma_start3A_80 = arith.constant 0 : i32
    %dma_start3A_81 = arith.constant 0 : i32
    %dma_start3A_82 = arith.constant 0 : i32
    %dma_start3A_83 = tpu.memref_slice %arg6[%dma_start3A_79, %dma_start3A_80, %dma_start3A_81, %dma_start3A_82] : memref<8x1x80x128xf32, #tpu.memory_space<vmem>> -> memref<1x1x80x128xf32, #tpu.memory_space<vmem>>
    %dma_start3A_84 = tpu.memref_squeeze %dma_start3A_83 : memref<1x1x80x128xf32, #tpu.memory_space<vmem>> -> memref<80x128xf32, #tpu.memory_space<vmem>>
    %dma_start3A_85 = arith.constant 560 : i32
    %dma_start3A_86 = tpu.memref_slice %arg5[%dma_start3A_85] : memref<25600xi32, #tpu.memory_space<vmem>> -> memref<80xi32, #tpu.memory_space<vmem>>
    %dma_start3A_87 = arith.constant 0 : i32
    %dma_start3A_88 = arith.constant 0 : i32
    %dma_start3A_89 = tpu.memref_slice %arg3[%dma_start3A_87, %dma_start3A_88] : memref<100000x128xf32, #tpu.memory_space<hbm>> -> memref<100000x128xf32, #tpu.memory_space<hbm>>
    tpu.enqueue_indirect_dma source(%dma_start3A_89 : memref<100000x128xf32, #tpu.memory_space<hbm>>) target(%dma_start3A_84 : memref<80x128xf32, #tpu.memory_space<vmem>>) offsets(%dma_start3A_86 : memref<80xi32, #tpu.memory_space<vmem>>) semaphore(%arg14 : memref<!tpu.dma_semaphore, #tpu.memory_space<semaphore_mem>>)
    %dma_wait3A = arith.constant 0 : i32
    %dma_wait3A_90 = arith.constant 0 : i32
    %dma_wait3A_91 = arith.constant 0 : i32
    %dma_wait3A_92 = arith.constant 0 : i32
    %dma_wait3A_93 = tpu.memref_slice %arg6[%dma_wait3A, %dma_wait3A_90, %dma_wait3A_91, %dma_wait3A_92] : memref<8x1x80x128xf32, #tpu.memory_space<vmem>> -> memref<1x1x80x128xf32, #tpu.memory_space<vmem>>
    %dma_wait3A_94 = tpu.memref_squeeze %dma_wait3A_93 : memref<1x1x80x128xf32, #tpu.memory_space<vmem>> -> memref<80x128xf32, #tpu.memory_space<vmem>>
    %dma_wait3A_95 = arith.constant 0 : i32
    %dma_wait3A_96 = tpu.memref_slice %arg5[%dma_wait3A_95] : memref<25600xi32, #tpu.memory_space<vmem>> -> memref<80xi32, #tpu.memory_space<vmem>>
    %dma_wait3A_97 = arith.constant 0 : i32
    %dma_wait3A_98 = arith.constant 0 : i32
    %dma_wait3A_99 = tpu.memref_slice %arg3[%dma_wait3A_97, %dma_wait3A_98] : memref<100000x128xf32, #tpu.memory_space<hbm>> -> memref<100000x128xf32, #tpu.memory_space<hbm>>
    tpu.wait_indirect_dma semaphore(%arg7 : memref<!tpu.dma_semaphore, #tpu.memory_space<semaphore_mem>>) src(%dma_wait3A_99 : memref<100000x128xf32, #tpu.memory_space<hbm>>) dst(%dma_wait3A_94 : memref<80x128xf32, #tpu.memory_space<vmem>>)
    %add3A_100 = arith.constant 0 : i32
    %add3A_101 = arith.addi %mul3A_2, %add3A_100 : i32
    %dma_start3A_102 = arith.constant 0 : i32
    %dma_start3A_103 = arith.constant 0 : i32
    %dma_start3A_104 = arith.constant 0 : i32
    %dma_start3A_105 = arith.constant 0 : i32
    %dma_start3A_106 = tpu.memref_slice %arg6[%dma_start3A_102, %dma_start3A_103, %dma_start3A_104, %dma_start3A_105] : memref<8x1x80x128xf32, #tpu.memory_space<vmem>> -> memref<1x1x80x128xf32, #tpu.memory_space<vmem>>
    %dma_start3A_107 = tpu.memref_squeeze %dma_start3A_106 : memref<1x1x80x128xf32, #tpu.memory_space<vmem>> -> memref<80x128xf32, #tpu.memory_space<vmem>>
    %dma_start3A_108 = arith.constant 0 : i32
    %dma_start3A_109 = tpu.memref_slice %arg4[%add3A_101, %dma_start3A_108] : memref<819200x128xf32, #tpu.memory_space<hbm>> -> memref<80x128xf32, #tpu.memory_space<hbm>>
    %dma_start3A_110 = arith.constant 0 : i32
    %dma_start3A_111 = tpu.memref_slice %arg4[%add3A_101, %dma_start3A_110] : memref<819200x128xf32, #tpu.memory_space<hbm>> -> memref<80x128xf32, #tpu.memory_space<hbm>>
    %dma_start3A_112 = arith.constant 0 : i32
    %dma_start3A_113 = arith.constant 0 : i32
    %dma_start3A_114 = tpu.memref_slice %arg6[%dma_start3A_102, %dma_start3A_103, %dma_start3A_112, %dma_start3A_113] : memref<8x1x80x128xf32, #tpu.memory_space<vmem>> -> memref<1x1x80x128xf32, #tpu.memory_space<vmem>>
    %dma_start3A_115 = tpu.memref_squeeze %dma_start3A_114 : memref<1x1x80x128xf32, #tpu.memory_space<vmem>> -> memref<80x128xf32, #tpu.memory_space<vmem>>
    tpu.enqueue_dma source(%dma_start3A_115 : memref<80x128xf32, #tpu.memory_space<vmem>>) target(%dma_start3A_111 : memref<80x128xf32, #tpu.memory_space<hbm>>) target_semaphore(%arg15 : memref<!tpu.dma_semaphore, #tpu.memory_space<semaphore_mem>>)
    %dma_wait3A_116 = arith.constant 1 : i32
    %dma_wait3A_117 = arith.constant 0 : i32
    %dma_wait3A_118 = arith.constant 0 : i32
    %dma_wait3A_119 = arith.constant 0 : i32
    %dma_wait3A_120 = tpu.memref_slice %arg6[%dma_wait3A_116, %dma_wait3A_117, %dma_wait3A_118, %dma_wait3A_119] : memref<8x1x80x128xf32, #tpu.memory_space<vmem>> -> memref<1x1x80x128xf32, #tpu.memory_space<vmem>>
    %dma_wait3A_121 = tpu.memref_squeeze %dma_wait3A_120 : memref<1x1x80x128xf32, #tpu.memory_space<vmem>> -> memref<80x128xf32, #tpu.memory_space<vmem>>
    %dma_wait3A_122 = arith.constant 80 : i32
    %dma_wait3A_123 = tpu.memref_slice %arg5[%dma_wait3A_122] : memref<25600xi32, #tpu.memory_space<vmem>> -> memref<80xi32, #tpu.memory_space<vmem>>
    %dma_wait3A_124 = arith.constant 0 : i32
    %dma_wait3A_125 = arith.constant 0 : i32
    %dma_wait3A_126 = tpu.memref_slice %arg3[%dma_wait3A_124, %dma_wait3A_125] : memref<100000x128xf32, #tpu.memory_space<hbm>> -> memref<100000x128xf32, #tpu.memory_space<hbm>>
    tpu.wait_indirect_dma semaphore(%arg8 : memref<!tpu.dma_semaphore, #tpu.memory_space<semaphore_mem>>) src(%dma_wait3A_126 : memref<100000x128xf32, #tpu.memory_space<hbm>>) dst(%dma_wait3A_121 : memref<80x128xf32, #tpu.memory_space<vmem>>)
    %add3A_127 = arith.constant 80 : i32
    %add3A_128 = arith.addi %mul3A_2, %add3A_127 : i32
    %dma_start3A_129 = arith.constant 1 : i32
    %dma_start3A_130 = arith.constant 0 : i32
    %dma_start3A_131 = arith.constant 0 : i32
    %dma_start3A_132 = arith.constant 0 : i32
    %dma_start3A_133 = tpu.memref_slice %arg6[%dma_start3A_129, %dma_start3A_130, %dma_start3A_131, %dma_start3A_132] : memref<8x1x80x128xf32, #tpu.memory_space<vmem>> -> memref<1x1x80x128xf32, #tpu.memory_space<vmem>>
    %dma_start3A_134 = tpu.memref_squeeze %dma_start3A_133 : memref<1x1x80x128xf32, #tpu.memory_space<vmem>> -> memref<80x128xf32, #tpu.memory_space<vmem>>
    %dma_start3A_135 = arith.constant 0 : i32
    %dma_start3A_136 = tpu.memref_slice %arg4[%add3A_128, %dma_start3A_135] : memref<819200x128xf32, #tpu.memory_space<hbm>> -> memref<80x128xf32, #tpu.memory_space<hbm>>
    %dma_start3A_137 = arith.constant 0 : i32
    %dma_start3A_138 = tpu.memref_slice %arg4[%add3A_128, %dma_start3A_137] : memref<819200x128xf32, #tpu.memory_space<hbm>> -> memref<80x128xf32, #tpu.memory_space<hbm>>
    %dma_start3A_139 = arith.constant 0 : i32
    %dma_start3A_140 = arith.constant 0 : i32
    %dma_start3A_141 = tpu.memref_slice %arg6[%dma_start3A_129, %dma_start3A_130, %dma_start3A_139, %dma_start3A_140] : memref<8x1x80x128xf32, #tpu.memory_space<vmem>> -> memref<1x1x80x128xf32, #tpu.memory_space<vmem>>
    %dma_start3A_142 = tpu.memref_squeeze %dma_start3A_141 : memref<1x1x80x128xf32, #tpu.memory_space<vmem>> -> memref<80x128xf32, #tpu.memory_space<vmem>>
    tpu.enqueue_dma source(%dma_start3A_142 : memref<80x128xf32, #tpu.memory_space<vmem>>) target(%dma_start3A_138 : memref<80x128xf32, #tpu.memory_space<hbm>>) target_semaphore(%arg16 : memref<!tpu.dma_semaphore, #tpu.memory_space<semaphore_mem>>)
    %dma_wait3A_143 = arith.constant 2 : i32
    %dma_wait3A_144 = arith.constant 0 : i32
    %dma_wait3A_145 = arith.constant 0 : i32
    %dma_wait3A_146 = arith.constant 0 : i32
    %dma_wait3A_147 = tpu.memref_slice %arg6[%dma_wait3A_143, %dma_wait3A_144, %dma_wait3A_145, %dma_wait3A_146] : memref<8x1x80x128xf32, #tpu.memory_space<vmem>> -> memref<1x1x80x128xf32, #tpu.memory_space<vmem>>
    %dma_wait3A_148 = tpu.memref_squeeze %dma_wait3A_147 : memref<1x1x80x128xf32, #tpu.memory_space<vmem>> -> memref<80x128xf32, #tpu.memory_space<vmem>>
    %dma_wait3A_149 = arith.constant 160 : i32
    %dma_wait3A_150 = tpu.memref_slice %arg5[%dma_wait3A_149] : memref<25600xi32, #tpu.memory_space<vmem>> -> memref<80xi32, #tpu.memory_space<vmem>>
    %dma_wait3A_151 = arith.constant 0 : i32
    %dma_wait3A_152 = arith.constant 0 : i32
    %dma_wait3A_153 = tpu.memref_slice %arg3[%dma_wait3A_151, %dma_wait3A_152] : memref<100000x128xf32, #tpu.memory_space<hbm>> -> memref<100000x128xf32, #tpu.memory_space<hbm>>
    tpu.wait_indirect_dma semaphore(%arg9 : memref<!tpu.dma_semaphore, #tpu.memory_space<semaphore_mem>>) src(%dma_wait3A_153 : memref<100000x128xf32, #tpu.memory_space<hbm>>) dst(%dma_wait3A_148 : memref<80x128xf32, #tpu.memory_space<vmem>>)
    %add3A_154 = arith.constant 160 : i32
    %add3A_155 = arith.addi %mul3A_2, %add3A_154 : i32
    %dma_start3A_156 = arith.constant 2 : i32
    %dma_start3A_157 = arith.constant 0 : i32
    %dma_start3A_158 = arith.constant 0 : i32
    %dma_start3A_159 = arith.constant 0 : i32
    %dma_start3A_160 = tpu.memref_slice %arg6[%dma_start3A_156, %dma_start3A_157, %dma_start3A_158, %dma_start3A_159] : memref<8x1x80x128xf32, #tpu.memory_space<vmem>> -> memref<1x1x80x128xf32, #tpu.memory_space<vmem>>
    %dma_start3A_161 = tpu.memref_squeeze %dma_start3A_160 : memref<1x1x80x128xf32, #tpu.memory_space<vmem>> -> memref<80x128xf32, #tpu.memory_space<vmem>>
    %dma_start3A_162 = arith.constant 0 : i32
    %dma_start3A_163 = tpu.memref_slice %arg4[%add3A_155, %dma_start3A_162] : memref<819200x128xf32, #tpu.memory_space<hbm>> -> memref<80x128xf32, #tpu.memory_space<hbm>>
    %dma_start3A_164 = arith.constant 0 : i32
    %dma_start3A_165 = tpu.memref_slice %arg4[%add3A_155, %dma_start3A_164] : memref<819200x128xf32, #tpu.memory_space<hbm>> -> memref<80x128xf32, #tpu.memory_space<hbm>>
    %dma_start3A_166 = arith.constant 0 : i32
    %dma_start3A_167 = arith.constant 0 : i32
    %dma_start3A_168 = tpu.memref_slice %arg6[%dma_start3A_156, %dma_start3A_157, %dma_start3A_166, %dma_start3A_167] : memref<8x1x80x128xf32, #tpu.memory_space<vmem>> -> memref<1x1x80x128xf32, #tpu.memory_space<vmem>>
    %dma_start3A_169 = tpu.memref_squeeze %dma_start3A_168 : memref<1x1x80x128xf32, #tpu.memory_space<vmem>> -> memref<80x128xf32, #tpu.memory_space<vmem>>
    tpu.enqueue_dma source(%dma_start3A_169 : memref<80x128xf32, #tpu.memory_space<vmem>>) target(%dma_start3A_165 : memref<80x128xf32, #tpu.memory_space<hbm>>) target_semaphore(%arg17 : memref<!tpu.dma_semaphore, #tpu.memory_space<semaphore_mem>>)
    %dma_wait3A_170 = arith.constant 3 : i32
    %dma_wait3A_171 = arith.constant 0 : i32
    %dma_wait3A_172 = arith.constant 0 : i32
    %dma_wait3A_173 = arith.constant 0 : i32
    %dma_wait3A_174 = tpu.memref_slice %arg6[%dma_wait3A_170, %dma_wait3A_171, %dma_wait3A_172, %dma_wait3A_173] : memref<8x1x80x128xf32, #tpu.memory_space<vmem>> -> memref<1x1x80x128xf32, #tpu.memory_space<vmem>>
    %dma_wait3A_175 = tpu.memref_squeeze %dma_wait3A_174 : memref<1x1x80x128xf32, #tpu.memory_space<vmem>> -> memref<80x128xf32, #tpu.memory_space<vmem>>
    %dma_wait3A_176 = arith.constant 240 : i32
    %dma_wait3A_177 = tpu.memref_slice %arg5[%dma_wait3A_176] : memref<25600xi32, #tpu.memory_space<vmem>> -> memref<80xi32, #tpu.memory_space<vmem>>
    %dma_wait3A_178 = arith.constant 0 : i32
    %dma_wait3A_179 = arith.constant 0 : i32
    %dma_wait3A_180 = tpu.memref_slice %arg3[%dma_wait3A_178, %dma_wait3A_179] : memref<100000x128xf32, #tpu.memory_space<hbm>> -> memref<100000x128xf32, #tpu.memory_space<hbm>>
    tpu.wait_indirect_dma semaphore(%arg10 : memref<!tpu.dma_semaphore, #tpu.memory_space<semaphore_mem>>) src(%dma_wait3A_180 : memref<100000x128xf32, #tpu.memory_space<hbm>>) dst(%dma_wait3A_175 : memref<80x128xf32, #tpu.memory_space<vmem>>)
    %add3A_181 = arith.constant 240 : i32
    %add3A_182 = arith.addi %mul3A_2, %add3A_181 : i32
    %dma_start3A_183 = arith.constant 3 : i32
    %dma_start3A_184 = arith.constant 0 : i32
    %dma_start3A_185 = arith.constant 0 : i32
    %dma_start3A_186 = arith.constant 0 : i32
    %dma_start3A_187 = tpu.memref_slice %arg6[%dma_start3A_183, %dma_start3A_184, %dma_start3A_185, %dma_start3A_186] : memref<8x1x80x128xf32, #tpu.memory_space<vmem>> -> memref<1x1x80x128xf32, #tpu.memory_space<vmem>>
    %dma_start3A_188 = tpu.memref_squeeze %dma_start3A_187 : memref<1x1x80x128xf32, #tpu.memory_space<vmem>> -> memref<80x128xf32, #tpu.memory_space<vmem>>
    %dma_start3A_189 = arith.constant 0 : i32
    %dma_start3A_190 = tpu.memref_slice %arg4[%add3A_182, %dma_start3A_189] : memref<819200x128xf32, #tpu.memory_space<hbm>> -> memref<80x128xf32, #tpu.memory_space<hbm>>
    %dma_start3A_191 = arith.constant 0 : i32
    %dma_start3A_192 = tpu.memref_slice %arg4[%add3A_182, %dma_start3A_191] : memref<819200x128xf32, #tpu.memory_space<hbm>> -> memref<80x128xf32, #tpu.memory_space<hbm>>
    %dma_start3A_193 = arith.constant 0 : i32
    %dma_start3A_194 = arith.constant 0 : i32
    %dma_start3A_195 = tpu.memref_slice %arg6[%dma_start3A_183, %dma_start3A_184, %dma_start3A_193, %dma_start3A_194] : memref<8x1x80x128xf32, #tpu.memory_space<vmem>> -> memref<1x1x80x128xf32, #tpu.memory_space<vmem>>
    %dma_start3A_196 = tpu.memref_squeeze %dma_start3A_195 : memref<1x1x80x128xf32, #tpu.memory_space<vmem>> -> memref<80x128xf32, #tpu.memory_space<vmem>>
    tpu.enqueue_dma source(%dma_start3A_196 : memref<80x128xf32, #tpu.memory_space<vmem>>) target(%dma_start3A_192 : memref<80x128xf32, #tpu.memory_space<hbm>>) target_semaphore(%arg18 : memref<!tpu.dma_semaphore, #tpu.memory_space<semaphore_mem>>)
    %dma_wait3A_197 = arith.constant 4 : i32
    %dma_wait3A_198 = arith.constant 0 : i32
    %dma_wait3A_199 = arith.constant 0 : i32
    %dma_wait3A_200 = arith.constant 0 : i32
    %dma_wait3A_201 = tpu.memref_slice %arg6[%dma_wait3A_197, %dma_wait3A_198, %dma_wait3A_199, %dma_wait3A_200] : memref<8x1x80x128xf32, #tpu.memory_space<vmem>> -> memref<1x1x80x128xf32, #tpu.memory_space<vmem>>
    %dma_wait3A_202 = tpu.memref_squeeze %dma_wait3A_201 : memref<1x1x80x128xf32, #tpu.memory_space<vmem>> -> memref<80x128xf32, #tpu.memory_space<vmem>>
    %dma_wait3A_203 = arith.constant 320 : i32
    %dma_wait3A_204 = tpu.memref_slice %arg5[%dma_wait3A_203] : memref<25600xi32, #tpu.memory_space<vmem>> -> memref<80xi32, #tpu.memory_space<vmem>>
    %dma_wait3A_205 = arith.constant 0 : i32
    %dma_wait3A_206 = arith.constant 0 : i32
    %dma_wait3A_207 = tpu.memref_slice %arg3[%dma_wait3A_205, %dma_wait3A_206] : memref<100000x128xf32, #tpu.memory_space<hbm>> -> memref<100000x128xf32, #tpu.memory_space<hbm>>
    tpu.wait_indirect_dma semaphore(%arg11 : memref<!tpu.dma_semaphore, #tpu.memory_space<semaphore_mem>>) src(%dma_wait3A_207 : memref<100000x128xf32, #tpu.memory_space<hbm>>) dst(%dma_wait3A_202 : memref<80x128xf32, #tpu.memory_space<vmem>>)
    %add3A_208 = arith.constant 320 : i32
    %add3A_209 = arith.addi %mul3A_2, %add3A_208 : i32
    %dma_start3A_210 = arith.constant 4 : i32
    %dma_start3A_211 = arith.constant 0 : i32
    %dma_start3A_212 = arith.constant 0 : i32
    %dma_start3A_213 = arith.constant 0 : i32
    %dma_start3A_214 = tpu.memref_slice %arg6[%dma_start3A_210, %dma_start3A_211, %dma_start3A_212, %dma_start3A_213] : memref<8x1x80x128xf32, #tpu.memory_space<vmem>> -> memref<1x1x80x128xf32, #tpu.memory_space<vmem>>
    %dma_start3A_215 = tpu.memref_squeeze %dma_start3A_214 : memref<1x1x80x128xf32, #tpu.memory_space<vmem>> -> memref<80x128xf32, #tpu.memory_space<vmem>>
    %dma_start3A_216 = arith.constant 0 : i32
    %dma_start3A_217 = tpu.memref_slice %arg4[%add3A_209, %dma_start3A_216] : memref<819200x128xf32, #tpu.memory_space<hbm>> -> memref<80x128xf32, #tpu.memory_space<hbm>>
    %dma_start3A_218 = arith.constant 0 : i32
    %dma_start3A_219 = tpu.memref_slice %arg4[%add3A_209, %dma_start3A_218] : memref<819200x128xf32, #tpu.memory_space<hbm>> -> memref<80x128xf32, #tpu.memory_space<hbm>>
    %dma_start3A_220 = arith.constant 0 : i32
    %dma_start3A_221 = arith.constant 0 : i32
    %dma_start3A_222 = tpu.memref_slice %arg6[%dma_start3A_210, %dma_start3A_211, %dma_start3A_220, %dma_start3A_221] : memref<8x1x80x128xf32, #tpu.memory_space<vmem>> -> memref<1x1x80x128xf32, #tpu.memory_space<vmem>>
    %dma_start3A_223 = tpu.memref_squeeze %dma_start3A_222 : memref<1x1x80x128xf32, #tpu.memory_space<vmem>> -> memref<80x128xf32, #tpu.memory_space<vmem>>
    tpu.enqueue_dma source(%dma_start3A_223 : memref<80x128xf32, #tpu.memory_space<vmem>>) target(%dma_start3A_219 : memref<80x128xf32, #tpu.memory_space<hbm>>) target_semaphore(%arg19 : memref<!tpu.dma_semaphore, #tpu.memory_space<semaphore_mem>>)
    %dma_wait3A_224 = arith.constant 5 : i32
    %dma_wait3A_225 = arith.constant 0 : i32
    %dma_wait3A_226 = arith.constant 0 : i32
    %dma_wait3A_227 = arith.constant 0 : i32
    %dma_wait3A_228 = tpu.memref_slice %arg6[%dma_wait3A_224, %dma_wait3A_225, %dma_wait3A_226, %dma_wait3A_227] : memref<8x1x80x128xf32, #tpu.memory_space<vmem>> -> memref<1x1x80x128xf32, #tpu.memory_space<vmem>>
    %dma_wait3A_229 = tpu.memref_squeeze %dma_wait3A_228 : memref<1x1x80x128xf32, #tpu.memory_space<vmem>> -> memref<80x128xf32, #tpu.memory_space<vmem>>
    %dma_wait3A_230 = arith.constant 400 : i32
    %dma_wait3A_231 = tpu.memref_slice %arg5[%dma_wait3A_230] : memref<25600xi32, #tpu.memory_space<vmem>> -> memref<80xi32, #tpu.memory_space<vmem>>
    %dma_wait3A_232 = arith.constant 0 : i32
    %dma_wait3A_233 = arith.constant 0 : i32
    %dma_wait3A_234 = tpu.memref_slice %arg3[%dma_wait3A_232, %dma_wait3A_233] : memref<100000x128xf32, #tpu.memory_space<hbm>> -> memref<100000x128xf32, #tpu.memory_space<hbm>>
    tpu.wait_indirect_dma semaphore(%arg12 : memref<!tpu.dma_semaphore, #tpu.memory_space<semaphore_mem>>) src(%dma_wait3A_234 : memref<100000x128xf32, #tpu.memory_space<hbm>>) dst(%dma_wait3A_229 : memref<80x128xf32, #tpu.memory_space<vmem>>)
    %add3A_235 = arith.constant 400 : i32
    %add3A_236 = arith.addi %mul3A_2, %add3A_235 : i32
    %dma_start3A_237 = arith.constant 5 : i32
    %dma_start3A_238 = arith.constant 0 : i32
    %dma_start3A_239 = arith.constant 0 : i32
    %dma_start3A_240 = arith.constant 0 : i32
    %dma_start3A_241 = tpu.memref_slice %arg6[%dma_start3A_237, %dma_start3A_238, %dma_start3A_239, %dma_start3A_240] : memref<8x1x80x128xf32, #tpu.memory_space<vmem>> -> memref<1x1x80x128xf32, #tpu.memory_space<vmem>>
    %dma_start3A_242 = tpu.memref_squeeze %dma_start3A_241 : memref<1x1x80x128xf32, #tpu.memory_space<vmem>> -> memref<80x128xf32, #tpu.memory_space<vmem>>
    %dma_start3A_243 = arith.constant 0 : i32
    %dma_start3A_244 = tpu.memref_slice %arg4[%add3A_236, %dma_start3A_243] : memref<819200x128xf32, #tpu.memory_space<hbm>> -> memref<80x128xf32, #tpu.memory_space<hbm>>
    %dma_start3A_245 = arith.constant 0 : i32
    %dma_start3A_246 = tpu.memref_slice %arg4[%add3A_236, %dma_start3A_245] : memref<819200x128xf32, #tpu.memory_space<hbm>> -> memref<80x128xf32, #tpu.memory_space<hbm>>
    %dma_start3A_247 = arith.constant 0 : i32
    %dma_start3A_248 = arith.constant 0 : i32
    %dma_start3A_249 = tpu.memref_slice %arg6[%dma_start3A_237, %dma_start3A_238, %dma_start3A_247, %dma_start3A_248] : memref<8x1x80x128xf32, #tpu.memory_space<vmem>> -> memref<1x1x80x128xf32, #tpu.memory_space<vmem>>
    %dma_start3A_250 = tpu.memref_squeeze %dma_start3A_249 : memref<1x1x80x128xf32, #tpu.memory_space<vmem>> -> memref<80x128xf32, #tpu.memory_space<vmem>>
    tpu.enqueue_dma source(%dma_start3A_250 : memref<80x128xf32, #tpu.memory_space<vmem>>) target(%dma_start3A_246 : memref<80x128xf32, #tpu.memory_space<hbm>>) target_semaphore(%arg20 : memref<!tpu.dma_semaphore, #tpu.memory_space<semaphore_mem>>)
    %dma_wait3A_251 = arith.constant 6 : i32
    %dma_wait3A_252 = arith.constant 0 : i32
    %dma_wait3A_253 = arith.constant 0 : i32
    %dma_wait3A_254 = arith.constant 0 : i32
    %dma_wait3A_255 = tpu.memref_slice %arg6[%dma_wait3A_251, %dma_wait3A_252, %dma_wait3A_253, %dma_wait3A_254] : memref<8x1x80x128xf32, #tpu.memory_space<vmem>> -> memref<1x1x80x128xf32, #tpu.memory_space<vmem>>
    %dma_wait3A_256 = tpu.memref_squeeze %dma_wait3A_255 : memref<1x1x80x128xf32, #tpu.memory_space<vmem>> -> memref<80x128xf32, #tpu.memory_space<vmem>>
    %dma_wait3A_257 = arith.constant 480 : i32
    %dma_wait3A_258 = tpu.memref_slice %arg5[%dma_wait3A_257] : memref<25600xi32, #tpu.memory_space<vmem>> -> memref<80xi32, #tpu.memory_space<vmem>>
    %dma_wait3A_259 = arith.constant 0 : i32
    %dma_wait3A_260 = arith.constant 0 : i32
    %dma_wait3A_261 = tpu.memref_slice %arg3[%dma_wait3A_259, %dma_wait3A_260] : memref<100000x128xf32, #tpu.memory_space<hbm>> -> memref<100000x128xf32, #tpu.memory_space<hbm>>
    tpu.wait_indirect_dma semaphore(%arg13 : memref<!tpu.dma_semaphore, #tpu.memory_space<semaphore_mem>>) src(%dma_wait3A_261 : memref<100000x128xf32, #tpu.memory_space<hbm>>) dst(%dma_wait3A_256 : memref<80x128xf32, #tpu.memory_space<vmem>>)
    %add3A_262 = arith.constant 480 : i32
    %add3A_263 = arith.addi %mul3A_2, %add3A_262 : i32
    %dma_start3A_264 = arith.constant 6 : i32
    %dma_start3A_265 = arith.constant 0 : i32
    %dma_start3A_266 = arith.constant 0 : i32
    %dma_start3A_267 = arith.constant 0 : i32
    %dma_start3A_268 = tpu.memref_slice %arg6[%dma_start3A_264, %dma_start3A_265, %dma_start3A_266, %dma_start3A_267] : memref<8x1x80x128xf32, #tpu.memory_space<vmem>> -> memref<1x1x80x128xf32, #tpu.memory_space<vmem>>
    %dma_start3A_269 = tpu.memref_squeeze %dma_start3A_268 : memref<1x1x80x128xf32, #tpu.memory_space<vmem>> -> memref<80x128xf32, #tpu.memory_space<vmem>>
    %dma_start3A_270 = arith.constant 0 : i32
    %dma_start3A_271 = tpu.memref_slice %arg4[%add3A_263, %dma_start3A_270] : memref<819200x128xf32, #tpu.memory_space<hbm>> -> memref<80x128xf32, #tpu.memory_space<hbm>>
    %dma_start3A_272 = arith.constant 0 : i32
    %dma_start3A_273 = tpu.memref_slice %arg4[%add3A_263, %dma_start3A_272] : memref<819200x128xf32, #tpu.memory_space<hbm>> -> memref<80x128xf32, #tpu.memory_space<hbm>>
    %dma_start3A_274 = arith.constant 0 : i32
    %dma_start3A_275 = arith.constant 0 : i32
    %dma_start3A_276 = tpu.memref_slice %arg6[%dma_start3A_264, %dma_start3A_265, %dma_start3A_274, %dma_start3A_275] : memref<8x1x80x128xf32, #tpu.memory_space<vmem>> -> memref<1x1x80x128xf32, #tpu.memory_space<vmem>>
    %dma_start3A_277 = tpu.memref_squeeze %dma_start3A_276 : memref<1x1x80x128xf32, #tpu.memory_space<vmem>> -> memref<80x128xf32, #tpu.memory_space<vmem>>
    tpu.enqueue_dma source(%dma_start3A_277 : memref<80x128xf32, #tpu.memory_space<vmem>>) target(%dma_start3A_273 : memref<80x128xf32, #tpu.memory_space<hbm>>) target_semaphore(%arg21 : memref<!tpu.dma_semaphore, #tpu.memory_space<semaphore_mem>>)
    %dma_wait3A_278 = arith.constant 7 : i32
    %dma_wait3A_279 = arith.constant 0 : i32
    %dma_wait3A_280 = arith.constant 0 : i32
    %dma_wait3A_281 = arith.constant 0 : i32
    %dma_wait3A_282 = tpu.memref_slice %arg6[%dma_wait3A_278, %dma_wait3A_279, %dma_wait3A_280, %dma_wait3A_281] : memref<8x1x80x128xf32, #tpu.memory_space<vmem>> -> memref<1x1x80x128xf32, #tpu.memory_space<vmem>>
    %dma_wait3A_283 = tpu.memref_squeeze %dma_wait3A_282 : memref<1x1x80x128xf32, #tpu.memory_space<vmem>> -> memref<80x128xf32, #tpu.memory_space<vmem>>
    %dma_wait3A_284 = arith.constant 560 : i32
    %dma_wait3A_285 = tpu.memref_slice %arg5[%dma_wait3A_284] : memref<25600xi32, #tpu.memory_space<vmem>> -> memref<80xi32, #tpu.memory_space<vmem>>
    %dma_wait3A_286 = arith.constant 0 : i32
    %dma_wait3A_287 = arith.constant 0 : i32
    %dma_wait3A_288 = tpu.memref_slice %arg3[%dma_wait3A_286, %dma_wait3A_287] : memref<100000x128xf32, #tpu.memory_space<hbm>> -> memref<100000x128xf32, #tpu.memory_space<hbm>>
    tpu.wait_indirect_dma semaphore(%arg14 : memref<!tpu.dma_semaphore, #tpu.memory_space<semaphore_mem>>) src(%dma_wait3A_288 : memref<100000x128xf32, #tpu.memory_space<hbm>>) dst(%dma_wait3A_283 : memref<80x128xf32, #tpu.memory_space<vmem>>)
    %add3A_289 = arith.constant 560 : i32
    %add3A_290 = arith.addi %mul3A_2, %add3A_289 : i32
    %dma_start3A_291 = arith.constant 7 : i32
    %dma_start3A_292 = arith.constant 0 : i32
    %dma_start3A_293 = arith.constant 0 : i32
    %dma_start3A_294 = arith.constant 0 : i32
    %dma_start3A_295 = tpu.memref_slice %arg6[%dma_start3A_291, %dma_start3A_292, %dma_start3A_293, %dma_start3A_294] : memref<8x1x80x128xf32, #tpu.memory_space<vmem>> -> memref<1x1x80x128xf32, #tpu.memory_space<vmem>>
    %dma_start3A_296 = tpu.memref_squeeze %dma_start3A_295 : memref<1x1x80x128xf32, #tpu.memory_space<vmem>> -> memref<80x128xf32, #tpu.memory_space<vmem>>
    %dma_start3A_297 = arith.constant 0 : i32
    %dma_start3A_298 = tpu.memref_slice %arg4[%add3A_290, %dma_start3A_297] : memref<819200x128xf32, #tpu.memory_space<hbm>> -> memref<80x128xf32, #tpu.memory_space<hbm>>
    %dma_start3A_299 = arith.constant 0 : i32
    %dma_start3A_300 = tpu.memref_slice %arg4[%add3A_290, %dma_start3A_299] : memref<819200x128xf32, #tpu.memory_space<hbm>> -> memref<80x128xf32, #tpu.memory_space<hbm>>
    %dma_start3A_301 = arith.constant 0 : i32
    %dma_start3A_302 = arith.constant 0 : i32
    %dma_start3A_303 = tpu.memref_slice %arg6[%dma_start3A_291, %dma_start3A_292, %dma_start3A_301, %dma_start3A_302] : memref<8x1x80x128xf32, #tpu.memory_space<vmem>> -> memref<1x1x80x128xf32, #tpu.memory_space<vmem>>
    %dma_start3A_304 = tpu.memref_squeeze %dma_start3A_303 : memref<1x1x80x128xf32, #tpu.memory_space<vmem>> -> memref<80x128xf32, #tpu.memory_space<vmem>>
    tpu.enqueue_dma source(%dma_start3A_304 : memref<80x128xf32, #tpu.memory_space<vmem>>) target(%dma_start3A_300 : memref<80x128xf32, #tpu.memory_space<hbm>>) target_semaphore(%arg22 : memref<!tpu.dma_semaphore, #tpu.memory_space<semaphore_mem>>)
    %scan3A = arith.constant 0 : i32
    %scan3A_305 = arith.constant 1 : i32
    %scan3A_306 = arith.constant 39 : i32
    %scan3A_307 = arith.addi %scan3A_305, %scan3A_306 : i32
    %scan3A_308 = arith.constant 1 : i32
    scf.for %scan3A_422 = %scan3A_305 to %scan3A_307 step %scan3A_308  : i32 {
      %mul3A_423 = arith.constant 8 : i32
      %mul3A_424 = arith.muli %scan3A_422, %mul3A_423 : i32
      %dma_wait3A_425 = arith.constant 0 : i32
      %dma_wait3A_426 = arith.constant 0 : i32
      %dma_wait3A_427 = arith.constant 0 : i32
      %dma_wait3A_428 = arith.constant 0 : i32
      %dma_wait3A_429 = tpu.memref_slice %arg6[%dma_wait3A_425, %dma_wait3A_426, %dma_wait3A_427, %dma_wait3A_428] : memref<8x1x80x128xf32, #tpu.memory_space<vmem>> -> memref<1x1x80x128xf32, #tpu.memory_space<vmem>>
      %dma_wait3A_430 = tpu.memref_squeeze %dma_wait3A_429 : memref<1x1x80x128xf32, #tpu.memory_space<vmem>> -> memref<80x128xf32, #tpu.memory_space<vmem>>
      %dma_wait3A_431 = arith.constant 0 : i32
      %dma_wait3A_432 = tpu.memref_slice %arg4[%mul3A_2, %dma_wait3A_431] : memref<819200x128xf32, #tpu.memory_space<hbm>> -> memref<80x128xf32, #tpu.memory_space<hbm>>
      %dma_wait3A_433 = arith.constant 0 : i32
      %dma_wait3A_434 = tpu.memref_slice %arg4[%mul3A_2, %dma_wait3A_433] : memref<819200x128xf32, #tpu.memory_space<hbm>> -> memref<80x128xf32, #tpu.memory_space<hbm>>
      %dma_wait3A_435 = arith.constant 0 : i32
      %dma_wait3A_436 = arith.constant 0 : i32
      %dma_wait3A_437 = tpu.memref_slice %arg6[%dma_wait3A_425, %dma_wait3A_426, %dma_wait3A_435, %dma_wait3A_436] : memref<8x1x80x128xf32, #tpu.memory_space<vmem>> -> memref<1x1x80x128xf32, #tpu.memory_space<vmem>>
      %dma_wait3A_438 = tpu.memref_squeeze %dma_wait3A_437 : memref<1x1x80x128xf32, #tpu.memory_space<vmem>> -> memref<80x128xf32, #tpu.memory_space<vmem>>
      tpu.wait_dma2 semaphore(%arg15 : memref<!tpu.dma_semaphore, #tpu.memory_space<semaphore_mem>>) src(%dma_wait3A_438 : memref<80x128xf32, #tpu.memory_space<vmem>>) dst(%dma_wait3A_434 : memref<80x128xf32, #tpu.memory_space<hbm>>)
      %add3A_439 = arith.constant 0 : i32
      %add3A_440 = arith.addi %mul3A_424, %add3A_439 : i32
      %add3A_441 = arith.constant 0 : i32
      %add3A_442 = arith.addi %add3A_440, %add3A_441 : i32
      %mul3A_443 = arith.constant 80 : i32
      %mul3A_444 = arith.muli %add3A_442, %mul3A_443 : i32
      %dma_start3A_445 = arith.constant 0 : i32
      %dma_start3A_446 = arith.constant 0 : i32
      %dma_start3A_447 = arith.constant 0 : i32
      %dma_start3A_448 = arith.constant 0 : i32
      %dma_start3A_449 = tpu.memref_slice %arg6[%dma_start3A_445, %dma_start3A_446, %dma_start3A_447, %dma_start3A_448] : memref<8x1x80x128xf32, #tpu.memory_space<vmem>> -> memref<1x1x80x128xf32, #tpu.memory_space<vmem>>
      %dma_start3A_450 = tpu.memref_squeeze %dma_start3A_449 : memref<1x1x80x128xf32, #tpu.memory_space<vmem>> -> memref<80x128xf32, #tpu.memory_space<vmem>>
      %dma_start3A_451 = tpu.memref_slice %arg5[%mul3A_444] : memref<25600xi32, #tpu.memory_space<vmem>> -> memref<80xi32, #tpu.memory_space<vmem>>
      %dma_start3A_452 = arith.constant 0 : i32
      %dma_start3A_453 = arith.constant 0 : i32
      %dma_start3A_454 = tpu.memref_slice %arg3[%dma_start3A_452, %dma_start3A_453] : memref<100000x128xf32, #tpu.memory_space<hbm>> -> memref<100000x128xf32, #tpu.memory_space<hbm>>
      tpu.enqueue_indirect_dma source(%dma_start3A_454 : memref<100000x128xf32, #tpu.memory_space<hbm>>) target(%dma_start3A_450 : memref<80x128xf32, #tpu.memory_space<vmem>>) offsets(%dma_start3A_451 : memref<80xi32, #tpu.memory_space<vmem>>) semaphore(%arg7 : memref<!tpu.dma_semaphore, #tpu.memory_space<semaphore_mem>>)
      %dma_wait3A_455 = arith.constant 1 : i32
      %dma_wait3A_456 = arith.constant 0 : i32
      %dma_wait3A_457 = arith.constant 0 : i32
      %dma_wait3A_458 = arith.constant 0 : i32
      %dma_wait3A_459 = tpu.memref_slice %arg6[%dma_wait3A_455, %dma_wait3A_456, %dma_wait3A_457, %dma_wait3A_458] : memref<8x1x80x128xf32, #tpu.memory_space<vmem>> -> memref<1x1x80x128xf32, #tpu.memory_space<vmem>>
      %dma_wait3A_460 = tpu.memref_squeeze %dma_wait3A_459 : memref<1x1x80x128xf32, #tpu.memory_space<vmem>> -> memref<80x128xf32, #tpu.memory_space<vmem>>
      %dma_wait3A_461 = arith.constant 0 : i32
      %dma_wait3A_462 = tpu.memref_slice %arg4[%mul3A_2, %dma_wait3A_461] : memref<819200x128xf32, #tpu.memory_space<hbm>> -> memref<80x128xf32, #tpu.memory_space<hbm>>
      %dma_wait3A_463 = arith.constant 0 : i32
      %dma_wait3A_464 = tpu.memref_slice %arg4[%mul3A_2, %dma_wait3A_463] : memref<819200x128xf32, #tpu.memory_space<hbm>> -> memref<80x128xf32, #tpu.memory_space<hbm>>
      %dma_wait3A_465 = arith.constant 0 : i32
      %dma_wait3A_466 = arith.constant 0 : i32
      %dma_wait3A_467 = tpu.memref_slice %arg6[%dma_wait3A_455, %dma_wait3A_456, %dma_wait3A_465, %dma_wait3A_466] : memref<8x1x80x128xf32, #tpu.memory_space<vmem>> -> memref<1x1x80x128xf32, #tpu.memory_space<vmem>>
      %dma_wait3A_468 = tpu.memref_squeeze %dma_wait3A_467 : memref<1x1x80x128xf32, #tpu.memory_space<vmem>> -> memref<80x128xf32, #tpu.memory_space<vmem>>
      tpu.wait_dma2 semaphore(%arg16 : memref<!tpu.dma_semaphore, #tpu.memory_space<semaphore_mem>>) src(%dma_wait3A_468 : memref<80x128xf32, #tpu.memory_space<vmem>>) dst(%dma_wait3A_464 : memref<80x128xf32, #tpu.memory_space<hbm>>)
      %add3A_469 = arith.constant 1 : i32
      %add3A_470 = arith.addi %mul3A_424, %add3A_469 : i32
      %add3A_471 = arith.constant 0 : i32
      %add3A_472 = arith.addi %add3A_470, %add3A_471 : i32
      %mul3A_473 = arith.constant 80 : i32
      %mul3A_474 = arith.muli %add3A_472, %mul3A_473 : i32
      %dma_start3A_475 = arith.constant 1 : i32
      %dma_start3A_476 = arith.constant 0 : i32
      %dma_start3A_477 = arith.constant 0 : i32
      %dma_start3A_478 = arith.constant 0 : i32
      %dma_start3A_479 = tpu.memref_slice %arg6[%dma_start3A_475, %dma_start3A_476, %dma_start3A_477, %dma_start3A_478] : memref<8x1x80x128xf32, #tpu.memory_space<vmem>> -> memref<1x1x80x128xf32, #tpu.memory_space<vmem>>
      %dma_start3A_480 = tpu.memref_squeeze %dma_start3A_479 : memref<1x1x80x128xf32, #tpu.memory_space<vmem>> -> memref<80x128xf32, #tpu.memory_space<vmem>>
      %dma_start3A_481 = tpu.memref_slice %arg5[%mul3A_474] : memref<25600xi32, #tpu.memory_space<vmem>> -> memref<80xi32, #tpu.memory_space<vmem>>
      %dma_start3A_482 = arith.constant 0 : i32
      %dma_start3A_483 = arith.constant 0 : i32
      %dma_start3A_484 = tpu.memref_slice %arg3[%dma_start3A_482, %dma_start3A_483] : memref<100000x128xf32, #tpu.memory_space<hbm>> -> memref<100000x128xf32, #tpu.memory_space<hbm>>
      tpu.enqueue_indirect_dma source(%dma_start3A_484 : memref<100000x128xf32, #tpu.memory_space<hbm>>) target(%dma_start3A_480 : memref<80x128xf32, #tpu.memory_space<vmem>>) offsets(%dma_start3A_481 : memref<80xi32, #tpu.memory_space<vmem>>) semaphore(%arg8 : memref<!tpu.dma_semaphore, #tpu.memory_space<semaphore_mem>>)
      %dma_wait3A_485 = arith.constant 2 : i32
      %dma_wait3A_486 = arith.constant 0 : i32
      %dma_wait3A_487 = arith.constant 0 : i32
      %dma_wait3A_488 = arith.constant 0 : i32
      %dma_wait3A_489 = tpu.memref_slice %arg6[%dma_wait3A_485, %dma_wait3A_486, %dma_wait3A_487, %dma_wait3A_488] : memref<8x1x80x128xf32, #tpu.memory_space<vmem>> -> memref<1x1x80x128xf32, #tpu.memory_space<vmem>>
      %dma_wait3A_490 = tpu.memref_squeeze %dma_wait3A_489 : memref<1x1x80x128xf32, #tpu.memory_space<vmem>> -> memref<80x128xf32, #tpu.memory_space<vmem>>
      %dma_wait3A_491 = arith.constant 0 : i32
      %dma_wait3A_492 = tpu.memref_slice %arg4[%mul3A_2, %dma_wait3A_491] : memref<819200x128xf32, #tpu.memory_space<hbm>> -> memref<80x128xf32, #tpu.memory_space<hbm>>
      %dma_wait3A_493 = arith.constant 0 : i32
      %dma_wait3A_494 = tpu.memref_slice %arg4[%mul3A_2, %dma_wait3A_493] : memref<819200x128xf32, #tpu.memory_space<hbm>> -> memref<80x128xf32, #tpu.memory_space<hbm>>
      %dma_wait3A_495 = arith.constant 0 : i32
      %dma_wait3A_496 = arith.constant 0 : i32
      %dma_wait3A_497 = tpu.memref_slice %arg6[%dma_wait3A_485, %dma_wait3A_486, %dma_wait3A_495, %dma_wait3A_496] : memref<8x1x80x128xf32, #tpu.memory_space<vmem>> -> memref<1x1x80x128xf32, #tpu.memory_space<vmem>>
      %dma_wait3A_498 = tpu.memref_squeeze %dma_wait3A_497 : memref<1x1x80x128xf32, #tpu.memory_space<vmem>> -> memref<80x128xf32, #tpu.memory_space<vmem>>
      tpu.wait_dma2 semaphore(%arg17 : memref<!tpu.dma_semaphore, #tpu.memory_space<semaphore_mem>>) src(%dma_wait3A_498 : memref<80x128xf32, #tpu.memory_space<vmem>>) dst(%dma_wait3A_494 : memref<80x128xf32, #tpu.memory_space<hbm>>)
      %add3A_499 = arith.constant 2 : i32
      %add3A_500 = arith.addi %mul3A_424, %add3A_499 : i32
      %add3A_501 = arith.constant 0 : i32
      %add3A_502 = arith.addi %add3A_500, %add3A_501 : i32
      %mul3A_503 = arith.constant 80 : i32
      %mul3A_504 = arith.muli %add3A_502, %mul3A_503 : i32
      %dma_start3A_505 = arith.constant 2 : i32
      %dma_start3A_506 = arith.constant 0 : i32
      %dma_start3A_507 = arith.constant 0 : i32
      %dma_start3A_508 = arith.constant 0 : i32
      %dma_start3A_509 = tpu.memref_slice %arg6[%dma_start3A_505, %dma_start3A_506, %dma_start3A_507, %dma_start3A_508] : memref<8x1x80x128xf32, #tpu.memory_space<vmem>> -> memref<1x1x80x128xf32, #tpu.memory_space<vmem>>
      %dma_start3A_510 = tpu.memref_squeeze %dma_start3A_509 : memref<1x1x80x128xf32, #tpu.memory_space<vmem>> -> memref<80x128xf32, #tpu.memory_space<vmem>>
      %dma_start3A_511 = tpu.memref_slice %arg5[%mul3A_504] : memref<25600xi32, #tpu.memory_space<vmem>> -> memref<80xi32, #tpu.memory_space<vmem>>
      %dma_start3A_512 = arith.constant 0 : i32
      %dma_start3A_513 = arith.constant 0 : i32
      %dma_start3A_514 = tpu.memref_slice %arg3[%dma_start3A_512, %dma_start3A_513] : memref<100000x128xf32, #tpu.memory_space<hbm>> -> memref<100000x128xf32, #tpu.memory_space<hbm>>
      tpu.enqueue_indirect_dma source(%dma_start3A_514 : memref<100000x128xf32, #tpu.memory_space<hbm>>) target(%dma_start3A_510 : memref<80x128xf32, #tpu.memory_space<vmem>>) offsets(%dma_start3A_511 : memref<80xi32, #tpu.memory_space<vmem>>) semaphore(%arg9 : memref<!tpu.dma_semaphore, #tpu.memory_space<semaphore_mem>>)
      %dma_wait3A_515 = arith.constant 3 : i32
      %dma_wait3A_516 = arith.constant 0 : i32
      %dma_wait3A_517 = arith.constant 0 : i32
      %dma_wait3A_518 = arith.constant 0 : i32
      %dma_wait3A_519 = tpu.memref_slice %arg6[%dma_wait3A_515, %dma_wait3A_516, %dma_wait3A_517, %dma_wait3A_518] : memref<8x1x80x128xf32, #tpu.memory_space<vmem>> -> memref<1x1x80x128xf32, #tpu.memory_space<vmem>>
      %dma_wait3A_520 = tpu.memref_squeeze %dma_wait3A_519 : memref<1x1x80x128xf32, #tpu.memory_space<vmem>> -> memref<80x128xf32, #tpu.memory_space<vmem>>
      %dma_wait3A_521 = arith.constant 0 : i32
      %dma_wait3A_522 = tpu.memref_slice %arg4[%mul3A_2, %dma_wait3A_521] : memref<819200x128xf32, #tpu.memory_space<hbm>> -> memref<80x128xf32, #tpu.memory_space<hbm>>
      %dma_wait3A_523 = arith.constant 0 : i32
      %dma_wait3A_524 = tpu.memref_slice %arg4[%mul3A_2, %dma_wait3A_523] : memref<819200x128xf32, #tpu.memory_space<hbm>> -> memref<80x128xf32, #tpu.memory_space<hbm>>
      %dma_wait3A_525 = arith.constant 0 : i32
      %dma_wait3A_526 = arith.constant 0 : i32
      %dma_wait3A_527 = tpu.memref_slice %arg6[%dma_wait3A_515, %dma_wait3A_516, %dma_wait3A_525, %dma_wait3A_526] : memref<8x1x80x128xf32, #tpu.memory_space<vmem>> -> memref<1x1x80x128xf32, #tpu.memory_space<vmem>>
      %dma_wait3A_528 = tpu.memref_squeeze %dma_wait3A_527 : memref<1x1x80x128xf32, #tpu.memory_space<vmem>> -> memref<80x128xf32, #tpu.memory_space<vmem>>
      tpu.wait_dma2 semaphore(%arg18 : memref<!tpu.dma_semaphore, #tpu.memory_space<semaphore_mem>>) src(%dma_wait3A_528 : memref<80x128xf32, #tpu.memory_space<vmem>>) dst(%dma_wait3A_524 : memref<80x128xf32, #tpu.memory_space<hbm>>)
      %add3A_529 = arith.constant 3 : i32
      %add3A_530 = arith.addi %mul3A_424, %add3A_529 : i32
      %add3A_531 = arith.constant 0 : i32
      %add3A_532 = arith.addi %add3A_530, %add3A_531 : i32
      %mul3A_533 = arith.constant 80 : i32
      %mul3A_534 = arith.muli %add3A_532, %mul3A_533 : i32
      %dma_start3A_535 = arith.constant 3 : i32
      %dma_start3A_536 = arith.constant 0 : i32
      %dma_start3A_537 = arith.constant 0 : i32
      %dma_start3A_538 = arith.constant 0 : i32
      %dma_start3A_539 = tpu.memref_slice %arg6[%dma_start3A_535, %dma_start3A_536, %dma_start3A_537, %dma_start3A_538] : memref<8x1x80x128xf32, #tpu.memory_space<vmem>> -> memref<1x1x80x128xf32, #tpu.memory_space<vmem>>
      %dma_start3A_540 = tpu.memref_squeeze %dma_start3A_539 : memref<1x1x80x128xf32, #tpu.memory_space<vmem>> -> memref<80x128xf32, #tpu.memory_space<vmem>>
      %dma_start3A_541 = tpu.memref_slice %arg5[%mul3A_534] : memref<25600xi32, #tpu.memory_space<vmem>> -> memref<80xi32, #tpu.memory_space<vmem>>
      %dma_start3A_542 = arith.constant 0 : i32
      %dma_start3A_543 = arith.constant 0 : i32
      %dma_start3A_544 = tpu.memref_slice %arg3[%dma_start3A_542, %dma_start3A_543] : memref<100000x128xf32, #tpu.memory_space<hbm>> -> memref<100000x128xf32, #tpu.memory_space<hbm>>
      tpu.enqueue_indirect_dma source(%dma_start3A_544 : memref<100000x128xf32, #tpu.memory_space<hbm>>) target(%dma_start3A_540 : memref<80x128xf32, #tpu.memory_space<vmem>>) offsets(%dma_start3A_541 : memref<80xi32, #tpu.memory_space<vmem>>) semaphore(%arg10 : memref<!tpu.dma_semaphore, #tpu.memory_space<semaphore_mem>>)
      %dma_wait3A_545 = arith.constant 4 : i32
      %dma_wait3A_546 = arith.constant 0 : i32
      %dma_wait3A_547 = arith.constant 0 : i32
      %dma_wait3A_548 = arith.constant 0 : i32
      %dma_wait3A_549 = tpu.memref_slice %arg6[%dma_wait3A_545, %dma_wait3A_546, %dma_wait3A_547, %dma_wait3A_548] : memref<8x1x80x128xf32, #tpu.memory_space<vmem>> -> memref<1x1x80x128xf32, #tpu.memory_space<vmem>>
      %dma_wait3A_550 = tpu.memref_squeeze %dma_wait3A_549 : memref<1x1x80x128xf32, #tpu.memory_space<vmem>> -> memref<80x128xf32, #tpu.memory_space<vmem>>
      %dma_wait3A_551 = arith.constant 0 : i32
      %dma_wait3A_552 = tpu.memref_slice %arg4[%mul3A_2, %dma_wait3A_551] : memref<819200x128xf32, #tpu.memory_space<hbm>> -> memref<80x128xf32, #tpu.memory_space<hbm>>
      %dma_wait3A_553 = arith.constant 0 : i32
      %dma_wait3A_554 = tpu.memref_slice %arg4[%mul3A_2, %dma_wait3A_553] : memref<819200x128xf32, #tpu.memory_space<hbm>> -> memref<80x128xf32, #tpu.memory_space<hbm>>
      %dma_wait3A_555 = arith.constant 0 : i32
      %dma_wait3A_556 = arith.constant 0 : i32
      %dma_wait3A_557 = tpu.memref_slice %arg6[%dma_wait3A_545, %dma_wait3A_546, %dma_wait3A_555, %dma_wait3A_556] : memref<8x1x80x128xf32, #tpu.memory_space<vmem>> -> memref<1x1x80x128xf32, #tpu.memory_space<vmem>>
      %dma_wait3A_558 = tpu.memref_squeeze %dma_wait3A_557 : memref<1x1x80x128xf32, #tpu.memory_space<vmem>> -> memref<80x128xf32, #tpu.memory_space<vmem>>
      tpu.wait_dma2 semaphore(%arg19 : memref<!tpu.dma_semaphore, #tpu.memory_space<semaphore_mem>>) src(%dma_wait3A_558 : memref<80x128xf32, #tpu.memory_space<vmem>>) dst(%dma_wait3A_554 : memref<80x128xf32, #tpu.memory_space<hbm>>)
      %add3A_559 = arith.constant 4 : i32
      %add3A_560 = arith.addi %mul3A_424, %add3A_559 : i32
      %add3A_561 = arith.constant 0 : i32
      %add3A_562 = arith.addi %add3A_560, %add3A_561 : i32
      %mul3A_563 = arith.constant 80 : i32
      %mul3A_564 = arith.muli %add3A_562, %mul3A_563 : i32
      %dma_start3A_565 = arith.constant 4 : i32
      %dma_start3A_566 = arith.constant 0 : i32
      %dma_start3A_567 = arith.constant 0 : i32
      %dma_start3A_568 = arith.constant 0 : i32
      %dma_start3A_569 = tpu.memref_slice %arg6[%dma_start3A_565, %dma_start3A_566, %dma_start3A_567, %dma_start3A_568] : memref<8x1x80x128xf32, #tpu.memory_space<vmem>> -> memref<1x1x80x128xf32, #tpu.memory_space<vmem>>
      %dma_start3A_570 = tpu.memref_squeeze %dma_start3A_569 : memref<1x1x80x128xf32, #tpu.memory_space<vmem>> -> memref<80x128xf32, #tpu.memory_space<vmem>>
      %dma_start3A_571 = tpu.memref_slice %arg5[%mul3A_564] : memref<25600xi32, #tpu.memory_space<vmem>> -> memref<80xi32, #tpu.memory_space<vmem>>
      %dma_start3A_572 = arith.constant 0 : i32
      %dma_start3A_573 = arith.constant 0 : i32
      %dma_start3A_574 = tpu.memref_slice %arg3[%dma_start3A_572, %dma_start3A_573] : memref<100000x128xf32, #tpu.memory_space<hbm>> -> memref<100000x128xf32, #tpu.memory_space<hbm>>
      tpu.enqueue_indirect_dma source(%dma_start3A_574 : memref<100000x128xf32, #tpu.memory_space<hbm>>) target(%dma_start3A_570 : memref<80x128xf32, #tpu.memory_space<vmem>>) offsets(%dma_start3A_571 : memref<80xi32, #tpu.memory_space<vmem>>) semaphore(%arg11 : memref<!tpu.dma_semaphore, #tpu.memory_space<semaphore_mem>>)
      %dma_wait3A_575 = arith.constant 5 : i32
      %dma_wait3A_576 = arith.constant 0 : i32
      %dma_wait3A_577 = arith.constant 0 : i32
      %dma_wait3A_578 = arith.constant 0 : i32
      %dma_wait3A_579 = tpu.memref_slice %arg6[%dma_wait3A_575, %dma_wait3A_576, %dma_wait3A_577, %dma_wait3A_578] : memref<8x1x80x128xf32, #tpu.memory_space<vmem>> -> memref<1x1x80x128xf32, #tpu.memory_space<vmem>>
      %dma_wait3A_580 = tpu.memref_squeeze %dma_wait3A_579 : memref<1x1x80x128xf32, #tpu.memory_space<vmem>> -> memref<80x128xf32, #tpu.memory_space<vmem>>
      %dma_wait3A_581 = arith.constant 0 : i32
      %dma_wait3A_582 = tpu.memref_slice %arg4[%mul3A_2, %dma_wait3A_581] : memref<819200x128xf32, #tpu.memory_space<hbm>> -> memref<80x128xf32, #tpu.memory_space<hbm>>
      %dma_wait3A_583 = arith.constant 0 : i32
      %dma_wait3A_584 = tpu.memref_slice %arg4[%mul3A_2, %dma_wait3A_583] : memref<819200x128xf32, #tpu.memory_space<hbm>> -> memref<80x128xf32, #tpu.memory_space<hbm>>
      %dma_wait3A_585 = arith.constant 0 : i32
      %dma_wait3A_586 = arith.constant 0 : i32
      %dma_wait3A_587 = tpu.memref_slice %arg6[%dma_wait3A_575, %dma_wait3A_576, %dma_wait3A_585, %dma_wait3A_586] : memref<8x1x80x128xf32, #tpu.memory_space<vmem>> -> memref<1x1x80x128xf32, #tpu.memory_space<vmem>>
      %dma_wait3A_588 = tpu.memref_squeeze %dma_wait3A_587 : memref<1x1x80x128xf32, #tpu.memory_space<vmem>> -> memref<80x128xf32, #tpu.memory_space<vmem>>
      tpu.wait_dma2 semaphore(%arg20 : memref<!tpu.dma_semaphore, #tpu.memory_space<semaphore_mem>>) src(%dma_wait3A_588 : memref<80x128xf32, #tpu.memory_space<vmem>>) dst(%dma_wait3A_584 : memref<80x128xf32, #tpu.memory_space<hbm>>)
      %add3A_589 = arith.constant 5 : i32
      %add3A_590 = arith.addi %mul3A_424, %add3A_589 : i32
      %add3A_591 = arith.constant 0 : i32
      %add3A_592 = arith.addi %add3A_590, %add3A_591 : i32
      %mul3A_593 = arith.constant 80 : i32
      %mul3A_594 = arith.muli %add3A_592, %mul3A_593 : i32
      %dma_start3A_595 = arith.constant 5 : i32
      %dma_start3A_596 = arith.constant 0 : i32
      %dma_start3A_597 = arith.constant 0 : i32
      %dma_start3A_598 = arith.constant 0 : i32
      %dma_start3A_599 = tpu.memref_slice %arg6[%dma_start3A_595, %dma_start3A_596, %dma_start3A_597, %dma_start3A_598] : memref<8x1x80x128xf32, #tpu.memory_space<vmem>> -> memref<1x1x80x128xf32, #tpu.memory_space<vmem>>
      %dma_start3A_600 = tpu.memref_squeeze %dma_start3A_599 : memref<1x1x80x128xf32, #tpu.memory_space<vmem>> -> memref<80x128xf32, #tpu.memory_space<vmem>>
      %dma_start3A_601 = tpu.memref_slice %arg5[%mul3A_594] : memref<25600xi32, #tpu.memory_space<vmem>> -> memref<80xi32, #tpu.memory_space<vmem>>
      %dma_start3A_602 = arith.constant 0 : i32
      %dma_start3A_603 = arith.constant 0 : i32
      %dma_start3A_604 = tpu.memref_slice %arg3[%dma_start3A_602, %dma_start3A_603] : memref<100000x128xf32, #tpu.memory_space<hbm>> -> memref<100000x128xf32, #tpu.memory_space<hbm>>
      tpu.enqueue_indirect_dma source(%dma_start3A_604 : memref<100000x128xf32, #tpu.memory_space<hbm>>) target(%dma_start3A_600 : memref<80x128xf32, #tpu.memory_space<vmem>>) offsets(%dma_start3A_601 : memref<80xi32, #tpu.memory_space<vmem>>) semaphore(%arg12 : memref<!tpu.dma_semaphore, #tpu.memory_space<semaphore_mem>>)
      %dma_wait3A_605 = arith.constant 6 : i32
      %dma_wait3A_606 = arith.constant 0 : i32
      %dma_wait3A_607 = arith.constant 0 : i32
      %dma_wait3A_608 = arith.constant 0 : i32
      %dma_wait3A_609 = tpu.memref_slice %arg6[%dma_wait3A_605, %dma_wait3A_606, %dma_wait3A_607, %dma_wait3A_608] : memref<8x1x80x128xf32, #tpu.memory_space<vmem>> -> memref<1x1x80x128xf32, #tpu.memory_space<vmem>>
      %dma_wait3A_610 = tpu.memref_squeeze %dma_wait3A_609 : memref<1x1x80x128xf32, #tpu.memory_space<vmem>> -> memref<80x128xf32, #tpu.memory_space<vmem>>
      %dma_wait3A_611 = arith.constant 0 : i32
      %dma_wait3A_612 = tpu.memref_slice %arg4[%mul3A_2, %dma_wait3A_611] : memref<819200x128xf32, #tpu.memory_space<hbm>> -> memref<80x128xf32, #tpu.memory_space<hbm>>
      %dma_wait3A_613 = arith.constant 0 : i32
      %dma_wait3A_614 = tpu.memref_slice %arg4[%mul3A_2, %dma_wait3A_613] : memref<819200x128xf32, #tpu.memory_space<hbm>> -> memref<80x128xf32, #tpu.memory_space<hbm>>
      %dma_wait3A_615 = arith.constant 0 : i32
      %dma_wait3A_616 = arith.constant 0 : i32
      %dma_wait3A_617 = tpu.memref_slice %arg6[%dma_wait3A_605, %dma_wait3A_606, %dma_wait3A_615, %dma_wait3A_616] : memref<8x1x80x128xf32, #tpu.memory_space<vmem>> -> memref<1x1x80x128xf32, #tpu.memory_space<vmem>>
      %dma_wait3A_618 = tpu.memref_squeeze %dma_wait3A_617 : memref<1x1x80x128xf32, #tpu.memory_space<vmem>> -> memref<80x128xf32, #tpu.memory_space<vmem>>
      tpu.wait_dma2 semaphore(%arg21 : memref<!tpu.dma_semaphore, #tpu.memory_space<semaphore_mem>>) src(%dma_wait3A_618 : memref<80x128xf32, #tpu.memory_space<vmem>>) dst(%dma_wait3A_614 : memref<80x128xf32, #tpu.memory_space<hbm>>)
      %add3A_619 = arith.constant 6 : i32
      %add3A_620 = arith.addi %mul3A_424, %add3A_619 : i32
      %add3A_621 = arith.constant 0 : i32
      %add3A_622 = arith.addi %add3A_620, %add3A_621 : i32
      %mul3A_623 = arith.constant 80 : i32
      %mul3A_624 = arith.muli %add3A_622, %mul3A_623 : i32
      %dma_start3A_625 = arith.constant 6 : i32
      %dma_start3A_626 = arith.constant 0 : i32
      %dma_start3A_627 = arith.constant 0 : i32
      %dma_start3A_628 = arith.constant 0 : i32
      %dma_start3A_629 = tpu.memref_slice %arg6[%dma_start3A_625, %dma_start3A_626, %dma_start3A_627, %dma_start3A_628] : memref<8x1x80x128xf32, #tpu.memory_space<vmem>> -> memref<1x1x80x128xf32, #tpu.memory_space<vmem>>
      %dma_start3A_630 = tpu.memref_squeeze %dma_start3A_629 : memref<1x1x80x128xf32, #tpu.memory_space<vmem>> -> memref<80x128xf32, #tpu.memory_space<vmem>>
      %dma_start3A_631 = tpu.memref_slice %arg5[%mul3A_624] : memref<25600xi32, #tpu.memory_space<vmem>> -> memref<80xi32, #tpu.memory_space<vmem>>
      %dma_start3A_632 = arith.constant 0 : i32
      %dma_start3A_633 = arith.constant 0 : i32
      %dma_start3A_634 = tpu.memref_slice %arg3[%dma_start3A_632, %dma_start3A_633] : memref<100000x128xf32, #tpu.memory_space<hbm>> -> memref<100000x128xf32, #tpu.memory_space<hbm>>
      tpu.enqueue_indirect_dma source(%dma_start3A_634 : memref<100000x128xf32, #tpu.memory_space<hbm>>) target(%dma_start3A_630 : memref<80x128xf32, #tpu.memory_space<vmem>>) offsets(%dma_start3A_631 : memref<80xi32, #tpu.memory_space<vmem>>) semaphore(%arg13 : memref<!tpu.dma_semaphore, #tpu.memory_space<semaphore_mem>>)
      %dma_wait3A_635 = arith.constant 7 : i32
      %dma_wait3A_636 = arith.constant 0 : i32
      %dma_wait3A_637 = arith.constant 0 : i32
      %dma_wait3A_638 = arith.constant 0 : i32
      %dma_wait3A_639 = tpu.memref_slice %arg6[%dma_wait3A_635, %dma_wait3A_636, %dma_wait3A_637, %dma_wait3A_638] : memref<8x1x80x128xf32, #tpu.memory_space<vmem>> -> memref<1x1x80x128xf32, #tpu.memory_space<vmem>>
      %dma_wait3A_640 = tpu.memref_squeeze %dma_wait3A_639 : memref<1x1x80x128xf32, #tpu.memory_space<vmem>> -> memref<80x128xf32, #tpu.memory_space<vmem>>
      %dma_wait3A_641 = arith.constant 0 : i32
      %dma_wait3A_642 = tpu.memref_slice %arg4[%mul3A_2, %dma_wait3A_641] : memref<819200x128xf32, #tpu.memory_space<hbm>> -> memref<80x128xf32, #tpu.memory_space<hbm>>
      %dma_wait3A_643 = arith.constant 0 : i32
      %dma_wait3A_644 = tpu.memref_slice %arg4[%mul3A_2, %dma_wait3A_643] : memref<819200x128xf32, #tpu.memory_space<hbm>> -> memref<80x128xf32, #tpu.memory_space<hbm>>
      %dma_wait3A_645 = arith.constant 0 : i32
      %dma_wait3A_646 = arith.constant 0 : i32
      %dma_wait3A_647 = tpu.memref_slice %arg6[%dma_wait3A_635, %dma_wait3A_636, %dma_wait3A_645, %dma_wait3A_646] : memref<8x1x80x128xf32, #tpu.memory_space<vmem>> -> memref<1x1x80x128xf32, #tpu.memory_space<vmem>>
      %dma_wait3A_648 = tpu.memref_squeeze %dma_wait3A_647 : memref<1x1x80x128xf32, #tpu.memory_space<vmem>> -> memref<80x128xf32, #tpu.memory_space<vmem>>
      tpu.wait_dma2 semaphore(%arg22 : memref<!tpu.dma_semaphore, #tpu.memory_space<semaphore_mem>>) src(%dma_wait3A_648 : memref<80x128xf32, #tpu.memory_space<vmem>>) dst(%dma_wait3A_644 : memref<80x128xf32, #tpu.memory_space<hbm>>)
      %add3A_649 = arith.constant 7 : i32
      %add3A_650 = arith.addi %mul3A_424, %add3A_649 : i32
      %add3A_651 = arith.constant 0 : i32
      %add3A_652 = arith.addi %add3A_650, %add3A_651 : i32
      %mul3A_653 = arith.constant 80 : i32
      %mul3A_654 = arith.muli %add3A_652, %mul3A_653 : i32
      %dma_start3A_655 = arith.constant 7 : i32
      %dma_start3A_656 = arith.constant 0 : i32
      %dma_start3A_657 = arith.constant 0 : i32
      %dma_start3A_658 = arith.constant 0 : i32
      %dma_start3A_659 = tpu.memref_slice %arg6[%dma_start3A_655, %dma_start3A_656, %dma_start3A_657, %dma_start3A_658] : memref<8x1x80x128xf32, #tpu.memory_space<vmem>> -> memref<1x1x80x128xf32, #tpu.memory_space<vmem>>
      %dma_start3A_660 = tpu.memref_squeeze %dma_start3A_659 : memref<1x1x80x128xf32, #tpu.memory_space<vmem>> -> memref<80x128xf32, #tpu.memory_space<vmem>>
      %dma_start3A_661 = tpu.memref_slice %arg5[%mul3A_654] : memref<25600xi32, #tpu.memory_space<vmem>> -> memref<80xi32, #tpu.memory_space<vmem>>
      %dma_start3A_662 = arith.constant 0 : i32
      %dma_start3A_663 = arith.constant 0 : i32
      %dma_start3A_664 = tpu.memref_slice %arg3[%dma_start3A_662, %dma_start3A_663] : memref<100000x128xf32, #tpu.memory_space<hbm>> -> memref<100000x128xf32, #tpu.memory_space<hbm>>
      tpu.enqueue_indirect_dma source(%dma_start3A_664 : memref<100000x128xf32, #tpu.memory_space<hbm>>) target(%dma_start3A_660 : memref<80x128xf32, #tpu.memory_space<vmem>>) offsets(%dma_start3A_661 : memref<80xi32, #tpu.memory_space<vmem>>) semaphore(%arg14 : memref<!tpu.dma_semaphore, #tpu.memory_space<semaphore_mem>>)
      %dma_wait3A_665 = arith.constant 0 : i32
      %dma_wait3A_666 = arith.constant 0 : i32
      %dma_wait3A_667 = arith.constant 0 : i32
      %dma_wait3A_668 = arith.constant 0 : i32
      %dma_wait3A_669 = tpu.memref_slice %arg6[%dma_wait3A_665, %dma_wait3A_666, %dma_wait3A_667, %dma_wait3A_668] : memref<8x1x80x128xf32, #tpu.memory_space<vmem>> -> memref<1x1x80x128xf32, #tpu.memory_space<vmem>>
      %dma_wait3A_670 = tpu.memref_squeeze %dma_wait3A_669 : memref<1x1x80x128xf32, #tpu.memory_space<vmem>> -> memref<80x128xf32, #tpu.memory_space<vmem>>
      %dma_wait3A_671 = tpu.memref_slice %arg5[%mul3A_444] : memref<25600xi32, #tpu.memory_space<vmem>> -> memref<80xi32, #tpu.memory_space<vmem>>
      %dma_wait3A_672 = arith.constant 0 : i32
      %dma_wait3A_673 = arith.constant 0 : i32
      %dma_wait3A_674 = tpu.memref_slice %arg3[%dma_wait3A_672, %dma_wait3A_673] : memref<100000x128xf32, #tpu.memory_space<hbm>> -> memref<100000x128xf32, #tpu.memory_space<hbm>>
      tpu.wait_indirect_dma semaphore(%arg7 : memref<!tpu.dma_semaphore, #tpu.memory_space<semaphore_mem>>) src(%dma_wait3A_674 : memref<100000x128xf32, #tpu.memory_space<hbm>>) dst(%dma_wait3A_670 : memref<80x128xf32, #tpu.memory_space<vmem>>)
      %add3A_675 = arith.constant 0 : i32
      %add3A_676 = arith.addi %mul3A_424, %add3A_675 : i32
      %add3A_677 = arith.constant 0 : i32
      %add3A_678 = arith.addi %add3A_676, %add3A_677 : i32
      %mul3A_679 = arith.constant 80 : i32
      %mul3A_680 = arith.muli %add3A_678, %mul3A_679 : i32
      %add3A_681 = arith.addi %mul3A_2, %mul3A_680 : i32
      %dma_start3A_682 = arith.constant 0 : i32
      %dma_start3A_683 = arith.constant 0 : i32
      %dma_start3A_684 = arith.constant 0 : i32
      %dma_start3A_685 = arith.constant 0 : i32
      %dma_start3A_686 = tpu.memref_slice %arg6[%dma_start3A_682, %dma_start3A_683, %dma_start3A_684, %dma_start3A_685] : memref<8x1x80x128xf32, #tpu.memory_space<vmem>> -> memref<1x1x80x128xf32, #tpu.memory_space<vmem>>
      %dma_start3A_687 = tpu.memref_squeeze %dma_start3A_686 : memref<1x1x80x128xf32, #tpu.memory_space<vmem>> -> memref<80x128xf32, #tpu.memory_space<vmem>>
      %dma_start3A_688 = arith.constant 0 : i32
      %dma_start3A_689 = tpu.memref_slice %arg4[%add3A_681, %dma_start3A_688] : memref<819200x128xf32, #tpu.memory_space<hbm>> -> memref<80x128xf32, #tpu.memory_space<hbm>>
      %dma_start3A_690 = arith.constant 0 : i32
      %dma_start3A_691 = tpu.memref_slice %arg4[%add3A_681, %dma_start3A_690] : memref<819200x128xf32, #tpu.memory_space<hbm>> -> memref<80x128xf32, #tpu.memory_space<hbm>>
      %dma_start3A_692 = arith.constant 0 : i32
      %dma_start3A_693 = arith.constant 0 : i32
      %dma_start3A_694 = tpu.memref_slice %arg6[%dma_start3A_682, %dma_start3A_683, %dma_start3A_692, %dma_start3A_693] : memref<8x1x80x128xf32, #tpu.memory_space<vmem>> -> memref<1x1x80x128xf32, #tpu.memory_space<vmem>>
      %dma_start3A_695 = tpu.memref_squeeze %dma_start3A_694 : memref<1x1x80x128xf32, #tpu.memory_space<vmem>> -> memref<80x128xf32, #tpu.memory_space<vmem>>
      tpu.enqueue_dma source(%dma_start3A_695 : memref<80x128xf32, #tpu.memory_space<vmem>>) target(%dma_start3A_691 : memref<80x128xf32, #tpu.memory_space<hbm>>) target_semaphore(%arg15 : memref<!tpu.dma_semaphore, #tpu.memory_space<semaphore_mem>>)
      %dma_wait3A_696 = arith.constant 1 : i32
      %dma_wait3A_697 = arith.constant 0 : i32
      %dma_wait3A_698 = arith.constant 0 : i32
      %dma_wait3A_699 = arith.constant 0 : i32
      %dma_wait3A_700 = tpu.memref_slice %arg6[%dma_wait3A_696, %dma_wait3A_697, %dma_wait3A_698, %dma_wait3A_699] : memref<8x1x80x128xf32, #tpu.memory_space<vmem>> -> memref<1x1x80x128xf32, #tpu.memory_space<vmem>>
      %dma_wait3A_701 = tpu.memref_squeeze %dma_wait3A_700 : memref<1x1x80x128xf32, #tpu.memory_space<vmem>> -> memref<80x128xf32, #tpu.memory_space<vmem>>
      %dma_wait3A_702 = tpu.memref_slice %arg5[%mul3A_474] : memref<25600xi32, #tpu.memory_space<vmem>> -> memref<80xi32, #tpu.memory_space<vmem>>
      %dma_wait3A_703 = arith.constant 0 : i32
      %dma_wait3A_704 = arith.constant 0 : i32
      %dma_wait3A_705 = tpu.memref_slice %arg3[%dma_wait3A_703, %dma_wait3A_704] : memref<100000x128xf32, #tpu.memory_space<hbm>> -> memref<100000x128xf32, #tpu.memory_space<hbm>>
      tpu.wait_indirect_dma semaphore(%arg8 : memref<!tpu.dma_semaphore, #tpu.memory_space<semaphore_mem>>) src(%dma_wait3A_705 : memref<100000x128xf32, #tpu.memory_space<hbm>>) dst(%dma_wait3A_701 : memref<80x128xf32, #tpu.memory_space<vmem>>)
      %add3A_706 = arith.constant 1 : i32
      %add3A_707 = arith.addi %mul3A_424, %add3A_706 : i32
      %add3A_708 = arith.constant 0 : i32
      %add3A_709 = arith.addi %add3A_707, %add3A_708 : i32
      %mul3A_710 = arith.constant 80 : i32
      %mul3A_711 = arith.muli %add3A_709, %mul3A_710 : i32
      %add3A_712 = arith.addi %mul3A_2, %mul3A_711 : i32
      %dma_start3A_713 = arith.constant 1 : i32
      %dma_start3A_714 = arith.constant 0 : i32
      %dma_start3A_715 = arith.constant 0 : i32
      %dma_start3A_716 = arith.constant 0 : i32
      %dma_start3A_717 = tpu.memref_slice %arg6[%dma_start3A_713, %dma_start3A_714, %dma_start3A_715, %dma_start3A_716] : memref<8x1x80x128xf32, #tpu.memory_space<vmem>> -> memref<1x1x80x128xf32, #tpu.memory_space<vmem>>
      %dma_start3A_718 = tpu.memref_squeeze %dma_start3A_717 : memref<1x1x80x128xf32, #tpu.memory_space<vmem>> -> memref<80x128xf32, #tpu.memory_space<vmem>>
      %dma_start3A_719 = arith.constant 0 : i32
      %dma_start3A_720 = tpu.memref_slice %arg4[%add3A_712, %dma_start3A_719] : memref<819200x128xf32, #tpu.memory_space<hbm>> -> memref<80x128xf32, #tpu.memory_space<hbm>>
      %dma_start3A_721 = arith.constant 0 : i32
      %dma_start3A_722 = tpu.memref_slice %arg4[%add3A_712, %dma_start3A_721] : memref<819200x128xf32, #tpu.memory_space<hbm>> -> memref<80x128xf32, #tpu.memory_space<hbm>>
      %dma_start3A_723 = arith.constant 0 : i32
      %dma_start3A_724 = arith.constant 0 : i32
      %dma_start3A_725 = tpu.memref_slice %arg6[%dma_start3A_713, %dma_start3A_714, %dma_start3A_723, %dma_start3A_724] : memref<8x1x80x128xf32, #tpu.memory_space<vmem>> -> memref<1x1x80x128xf32, #tpu.memory_space<vmem>>
      %dma_start3A_726 = tpu.memref_squeeze %dma_start3A_725 : memref<1x1x80x128xf32, #tpu.memory_space<vmem>> -> memref<80x128xf32, #tpu.memory_space<vmem>>
      tpu.enqueue_dma source(%dma_start3A_726 : memref<80x128xf32, #tpu.memory_space<vmem>>) target(%dma_start3A_722 : memref<80x128xf32, #tpu.memory_space<hbm>>) target_semaphore(%arg16 : memref<!tpu.dma_semaphore, #tpu.memory_space<semaphore_mem>>)
      %dma_wait3A_727 = arith.constant 2 : i32
      %dma_wait3A_728 = arith.constant 0 : i32
      %dma_wait3A_729 = arith.constant 0 : i32
      %dma_wait3A_730 = arith.constant 0 : i32
      %dma_wait3A_731 = tpu.memref_slice %arg6[%dma_wait3A_727, %dma_wait3A_728, %dma_wait3A_729, %dma_wait3A_730] : memref<8x1x80x128xf32, #tpu.memory_space<vmem>> -> memref<1x1x80x128xf32, #tpu.memory_space<vmem>>
      %dma_wait3A_732 = tpu.memref_squeeze %dma_wait3A_731 : memref<1x1x80x128xf32, #tpu.memory_space<vmem>> -> memref<80x128xf32, #tpu.memory_space<vmem>>
      %dma_wait3A_733 = tpu.memref_slice %arg5[%mul3A_504] : memref<25600xi32, #tpu.memory_space<vmem>> -> memref<80xi32, #tpu.memory_space<vmem>>
      %dma_wait3A_734 = arith.constant 0 : i32
      %dma_wait3A_735 = arith.constant 0 : i32
      %dma_wait3A_736 = tpu.memref_slice %arg3[%dma_wait3A_734, %dma_wait3A_735] : memref<100000x128xf32, #tpu.memory_space<hbm>> -> memref<100000x128xf32, #tpu.memory_space<hbm>>
      tpu.wait_indirect_dma semaphore(%arg9 : memref<!tpu.dma_semaphore, #tpu.memory_space<semaphore_mem>>) src(%dma_wait3A_736 : memref<100000x128xf32, #tpu.memory_space<hbm>>) dst(%dma_wait3A_732 : memref<80x128xf32, #tpu.memory_space<vmem>>)
      %add3A_737 = arith.constant 2 : i32
      %add3A_738 = arith.addi %mul3A_424, %add3A_737 : i32
      %add3A_739 = arith.constant 0 : i32
      %add3A_740 = arith.addi %add3A_738, %add3A_739 : i32
      %mul3A_741 = arith.constant 80 : i32
      %mul3A_742 = arith.muli %add3A_740, %mul3A_741 : i32
      %add3A_743 = arith.addi %mul3A_2, %mul3A_742 : i32
      %dma_start3A_744 = arith.constant 2 : i32
      %dma_start3A_745 = arith.constant 0 : i32
      %dma_start3A_746 = arith.constant 0 : i32
      %dma_start3A_747 = arith.constant 0 : i32
      %dma_start3A_748 = tpu.memref_slice %arg6[%dma_start3A_744, %dma_start3A_745, %dma_start3A_746, %dma_start3A_747] : memref<8x1x80x128xf32, #tpu.memory_space<vmem>> -> memref<1x1x80x128xf32, #tpu.memory_space<vmem>>
      %dma_start3A_749 = tpu.memref_squeeze %dma_start3A_748 : memref<1x1x80x128xf32, #tpu.memory_space<vmem>> -> memref<80x128xf32, #tpu.memory_space<vmem>>
      %dma_start3A_750 = arith.constant 0 : i32
      %dma_start3A_751 = tpu.memref_slice %arg4[%add3A_743, %dma_start3A_750] : memref<819200x128xf32, #tpu.memory_space<hbm>> -> memref<80x128xf32, #tpu.memory_space<hbm>>
      %dma_start3A_752 = arith.constant 0 : i32
      %dma_start3A_753 = tpu.memref_slice %arg4[%add3A_743, %dma_start3A_752] : memref<819200x128xf32, #tpu.memory_space<hbm>> -> memref<80x128xf32, #tpu.memory_space<hbm>>
      %dma_start3A_754 = arith.constant 0 : i32
      %dma_start3A_755 = arith.constant 0 : i32
      %dma_start3A_756 = tpu.memref_slice %arg6[%dma_start3A_744, %dma_start3A_745, %dma_start3A_754, %dma_start3A_755] : memref<8x1x80x128xf32, #tpu.memory_space<vmem>> -> memref<1x1x80x128xf32, #tpu.memory_space<vmem>>
      %dma_start3A_757 = tpu.memref_squeeze %dma_start3A_756 : memref<1x1x80x128xf32, #tpu.memory_space<vmem>> -> memref<80x128xf32, #tpu.memory_space<vmem>>
      tpu.enqueue_dma source(%dma_start3A_757 : memref<80x128xf32, #tpu.memory_space<vmem>>) target(%dma_start3A_753 : memref<80x128xf32, #tpu.memory_space<hbm>>) target_semaphore(%arg17 : memref<!tpu.dma_semaphore, #tpu.memory_space<semaphore_mem>>)
      %dma_wait3A_758 = arith.constant 3 : i32
      %dma_wait3A_759 = arith.constant 0 : i32
      %dma_wait3A_760 = arith.constant 0 : i32
      %dma_wait3A_761 = arith.constant 0 : i32
      %dma_wait3A_762 = tpu.memref_slice %arg6[%dma_wait3A_758, %dma_wait3A_759, %dma_wait3A_760, %dma_wait3A_761] : memref<8x1x80x128xf32, #tpu.memory_space<vmem>> -> memref<1x1x80x128xf32, #tpu.memory_space<vmem>>
      %dma_wait3A_763 = tpu.memref_squeeze %dma_wait3A_762 : memref<1x1x80x128xf32, #tpu.memory_space<vmem>> -> memref<80x128xf32, #tpu.memory_space<vmem>>
      %dma_wait3A_764 = tpu.memref_slice %arg5[%mul3A_534] : memref<25600xi32, #tpu.memory_space<vmem>> -> memref<80xi32, #tpu.memory_space<vmem>>
      %dma_wait3A_765 = arith.constant 0 : i32
      %dma_wait3A_766 = arith.constant 0 : i32
      %dma_wait3A_767 = tpu.memref_slice %arg3[%dma_wait3A_765, %dma_wait3A_766] : memref<100000x128xf32, #tpu.memory_space<hbm>> -> memref<100000x128xf32, #tpu.memory_space<hbm>>
      tpu.wait_indirect_dma semaphore(%arg10 : memref<!tpu.dma_semaphore, #tpu.memory_space<semaphore_mem>>) src(%dma_wait3A_767 : memref<100000x128xf32, #tpu.memory_space<hbm>>) dst(%dma_wait3A_763 : memref<80x128xf32, #tpu.memory_space<vmem>>)
      %add3A_768 = arith.constant 3 : i32
      %add3A_769 = arith.addi %mul3A_424, %add3A_768 : i32
      %add3A_770 = arith.constant 0 : i32
      %add3A_771 = arith.addi %add3A_769, %add3A_770 : i32
      %mul3A_772 = arith.constant 80 : i32
      %mul3A_773 = arith.muli %add3A_771, %mul3A_772 : i32
      %add3A_774 = arith.addi %mul3A_2, %mul3A_773 : i32
      %dma_start3A_775 = arith.constant 3 : i32
      %dma_start3A_776 = arith.constant 0 : i32
      %dma_start3A_777 = arith.constant 0 : i32
      %dma_start3A_778 = arith.constant 0 : i32
      %dma_start3A_779 = tpu.memref_slice %arg6[%dma_start3A_775, %dma_start3A_776, %dma_start3A_777, %dma_start3A_778] : memref<8x1x80x128xf32, #tpu.memory_space<vmem>> -> memref<1x1x80x128xf32, #tpu.memory_space<vmem>>
      %dma_start3A_780 = tpu.memref_squeeze %dma_start3A_779 : memref<1x1x80x128xf32, #tpu.memory_space<vmem>> -> memref<80x128xf32, #tpu.memory_space<vmem>>
      %dma_start3A_781 = arith.constant 0 : i32
      %dma_start3A_782 = tpu.memref_slice %arg4[%add3A_774, %dma_start3A_781] : memref<819200x128xf32, #tpu.memory_space<hbm>> -> memref<80x128xf32, #tpu.memory_space<hbm>>
      %dma_start3A_783 = arith.constant 0 : i32
      %dma_start3A_784 = tpu.memref_slice %arg4[%add3A_774, %dma_start3A_783] : memref<819200x128xf32, #tpu.memory_space<hbm>> -> memref<80x128xf32, #tpu.memory_space<hbm>>
      %dma_start3A_785 = arith.constant 0 : i32
      %dma_start3A_786 = arith.constant 0 : i32
      %dma_start3A_787 = tpu.memref_slice %arg6[%dma_start3A_775, %dma_start3A_776, %dma_start3A_785, %dma_start3A_786] : memref<8x1x80x128xf32, #tpu.memory_space<vmem>> -> memref<1x1x80x128xf32, #tpu.memory_space<vmem>>
      %dma_start3A_788 = tpu.memref_squeeze %dma_start3A_787 : memref<1x1x80x128xf32, #tpu.memory_space<vmem>> -> memref<80x128xf32, #tpu.memory_space<vmem>>
      tpu.enqueue_dma source(%dma_start3A_788 : memref<80x128xf32, #tpu.memory_space<vmem>>) target(%dma_start3A_784 : memref<80x128xf32, #tpu.memory_space<hbm>>) target_semaphore(%arg18 : memref<!tpu.dma_semaphore, #tpu.memory_space<semaphore_mem>>)
      %dma_wait3A_789 = arith.constant 4 : i32
      %dma_wait3A_790 = arith.constant 0 : i32
      %dma_wait3A_791 = arith.constant 0 : i32
      %dma_wait3A_792 = arith.constant 0 : i32
      %dma_wait3A_793 = tpu.memref_slice %arg6[%dma_wait3A_789, %dma_wait3A_790, %dma_wait3A_791, %dma_wait3A_792] : memref<8x1x80x128xf32, #tpu.memory_space<vmem>> -> memref<1x1x80x128xf32, #tpu.memory_space<vmem>>
      %dma_wait3A_794 = tpu.memref_squeeze %dma_wait3A_793 : memref<1x1x80x128xf32, #tpu.memory_space<vmem>> -> memref<80x128xf32, #tpu.memory_space<vmem>>
      %dma_wait3A_795 = tpu.memref_slice %arg5[%mul3A_564] : memref<25600xi32, #tpu.memory_space<vmem>> -> memref<80xi32, #tpu.memory_space<vmem>>
      %dma_wait3A_796 = arith.constant 0 : i32
      %dma_wait3A_797 = arith.constant 0 : i32
      %dma_wait3A_798 = tpu.memref_slice %arg3[%dma_wait3A_796, %dma_wait3A_797] : memref<100000x128xf32, #tpu.memory_space<hbm>> -> memref<100000x128xf32, #tpu.memory_space<hbm>>
      tpu.wait_indirect_dma semaphore(%arg11 : memref<!tpu.dma_semaphore, #tpu.memory_space<semaphore_mem>>) src(%dma_wait3A_798 : memref<100000x128xf32, #tpu.memory_space<hbm>>) dst(%dma_wait3A_794 : memref<80x128xf32, #tpu.memory_space<vmem>>)
      %add3A_799 = arith.constant 4 : i32
      %add3A_800 = arith.addi %mul3A_424, %add3A_799 : i32
      %add3A_801 = arith.constant 0 : i32
      %add3A_802 = arith.addi %add3A_800, %add3A_801 : i32
      %mul3A_803 = arith.constant 80 : i32
      %mul3A_804 = arith.muli %add3A_802, %mul3A_803 : i32
      %add3A_805 = arith.addi %mul3A_2, %mul3A_804 : i32
      %dma_start3A_806 = arith.constant 4 : i32
      %dma_start3A_807 = arith.constant 0 : i32
      %dma_start3A_808 = arith.constant 0 : i32
      %dma_start3A_809 = arith.constant 0 : i32
      %dma_start3A_810 = tpu.memref_slice %arg6[%dma_start3A_806, %dma_start3A_807, %dma_start3A_808, %dma_start3A_809] : memref<8x1x80x128xf32, #tpu.memory_space<vmem>> -> memref<1x1x80x128xf32, #tpu.memory_space<vmem>>
      %dma_start3A_811 = tpu.memref_squeeze %dma_start3A_810 : memref<1x1x80x128xf32, #tpu.memory_space<vmem>> -> memref<80x128xf32, #tpu.memory_space<vmem>>
      %dma_start3A_812 = arith.constant 0 : i32
      %dma_start3A_813 = tpu.memref_slice %arg4[%add3A_805, %dma_start3A_812] : memref<819200x128xf32, #tpu.memory_space<hbm>> -> memref<80x128xf32, #tpu.memory_space<hbm>>
      %dma_start3A_814 = arith.constant 0 : i32
      %dma_start3A_815 = tpu.memref_slice %arg4[%add3A_805, %dma_start3A_814] : memref<819200x128xf32, #tpu.memory_space<hbm>> -> memref<80x128xf32, #tpu.memory_space<hbm>>
      %dma_start3A_816 = arith.constant 0 : i32
      %dma_start3A_817 = arith.constant 0 : i32
      %dma_start3A_818 = tpu.memref_slice %arg6[%dma_start3A_806, %dma_start3A_807, %dma_start3A_816, %dma_start3A_817] : memref<8x1x80x128xf32, #tpu.memory_space<vmem>> -> memref<1x1x80x128xf32, #tpu.memory_space<vmem>>
      %dma_start3A_819 = tpu.memref_squeeze %dma_start3A_818 : memref<1x1x80x128xf32, #tpu.memory_space<vmem>> -> memref<80x128xf32, #tpu.memory_space<vmem>>
      tpu.enqueue_dma source(%dma_start3A_819 : memref<80x128xf32, #tpu.memory_space<vmem>>) target(%dma_start3A_815 : memref<80x128xf32, #tpu.memory_space<hbm>>) target_semaphore(%arg19 : memref<!tpu.dma_semaphore, #tpu.memory_space<semaphore_mem>>)
      %dma_wait3A_820 = arith.constant 5 : i32
      %dma_wait3A_821 = arith.constant 0 : i32
      %dma_wait3A_822 = arith.constant 0 : i32
      %dma_wait3A_823 = arith.constant 0 : i32
      %dma_wait3A_824 = tpu.memref_slice %arg6[%dma_wait3A_820, %dma_wait3A_821, %dma_wait3A_822, %dma_wait3A_823] : memref<8x1x80x128xf32, #tpu.memory_space<vmem>> -> memref<1x1x80x128xf32, #tpu.memory_space<vmem>>
      %dma_wait3A_825 = tpu.memref_squeeze %dma_wait3A_824 : memref<1x1x80x128xf32, #tpu.memory_space<vmem>> -> memref<80x128xf32, #tpu.memory_space<vmem>>
      %dma_wait3A_826 = tpu.memref_slice %arg5[%mul3A_594] : memref<25600xi32, #tpu.memory_space<vmem>> -> memref<80xi32, #tpu.memory_space<vmem>>
      %dma_wait3A_827 = arith.constant 0 : i32
      %dma_wait3A_828 = arith.constant 0 : i32
      %dma_wait3A_829 = tpu.memref_slice %arg3[%dma_wait3A_827, %dma_wait3A_828] : memref<100000x128xf32, #tpu.memory_space<hbm>> -> memref<100000x128xf32, #tpu.memory_space<hbm>>
      tpu.wait_indirect_dma semaphore(%arg12 : memref<!tpu.dma_semaphore, #tpu.memory_space<semaphore_mem>>) src(%dma_wait3A_829 : memref<100000x128xf32, #tpu.memory_space<hbm>>) dst(%dma_wait3A_825 : memref<80x128xf32, #tpu.memory_space<vmem>>)
      %add3A_830 = arith.constant 5 : i32
      %add3A_831 = arith.addi %mul3A_424, %add3A_830 : i32
      %add3A_832 = arith.constant 0 : i32
      %add3A_833 = arith.addi %add3A_831, %add3A_832 : i32
      %mul3A_834 = arith.constant 80 : i32
      %mul3A_835 = arith.muli %add3A_833, %mul3A_834 : i32
      %add3A_836 = arith.addi %mul3A_2, %mul3A_835 : i32
      %dma_start3A_837 = arith.constant 5 : i32
      %dma_start3A_838 = arith.constant 0 : i32
      %dma_start3A_839 = arith.constant 0 : i32
      %dma_start3A_840 = arith.constant 0 : i32
      %dma_start3A_841 = tpu.memref_slice %arg6[%dma_start3A_837, %dma_start3A_838, %dma_start3A_839, %dma_start3A_840] : memref<8x1x80x128xf32, #tpu.memory_space<vmem>> -> memref<1x1x80x128xf32, #tpu.memory_space<vmem>>
      %dma_start3A_842 = tpu.memref_squeeze %dma_start3A_841 : memref<1x1x80x128xf32, #tpu.memory_space<vmem>> -> memref<80x128xf32, #tpu.memory_space<vmem>>
      %dma_start3A_843 = arith.constant 0 : i32
      %dma_start3A_844 = tpu.memref_slice %arg4[%add3A_836, %dma_start3A_843] : memref<819200x128xf32, #tpu.memory_space<hbm>> -> memref<80x128xf32, #tpu.memory_space<hbm>>
      %dma_start3A_845 = arith.constant 0 : i32
      %dma_start3A_846 = tpu.memref_slice %arg4[%add3A_836, %dma_start3A_845] : memref<819200x128xf32, #tpu.memory_space<hbm>> -> memref<80x128xf32, #tpu.memory_space<hbm>>
      %dma_start3A_847 = arith.constant 0 : i32
      %dma_start3A_848 = arith.constant 0 : i32
      %dma_start3A_849 = tpu.memref_slice %arg6[%dma_start3A_837, %dma_start3A_838, %dma_start3A_847, %dma_start3A_848] : memref<8x1x80x128xf32, #tpu.memory_space<vmem>> -> memref<1x1x80x128xf32, #tpu.memory_space<vmem>>
      %dma_start3A_850 = tpu.memref_squeeze %dma_start3A_849 : memref<1x1x80x128xf32, #tpu.memory_space<vmem>> -> memref<80x128xf32, #tpu.memory_space<vmem>>
      tpu.enqueue_dma source(%dma_start3A_850 : memref<80x128xf32, #tpu.memory_space<vmem>>) target(%dma_start3A_846 : memref<80x128xf32, #tpu.memory_space<hbm>>) target_semaphore(%arg20 : memref<!tpu.dma_semaphore, #tpu.memory_space<semaphore_mem>>)
      %dma_wait3A_851 = arith.constant 6 : i32
      %dma_wait3A_852 = arith.constant 0 : i32
      %dma_wait3A_853 = arith.constant 0 : i32
      %dma_wait3A_854 = arith.constant 0 : i32
      %dma_wait3A_855 = tpu.memref_slice %arg6[%dma_wait3A_851, %dma_wait3A_852, %dma_wait3A_853, %dma_wait3A_854] : memref<8x1x80x128xf32, #tpu.memory_space<vmem>> -> memref<1x1x80x128xf32, #tpu.memory_space<vmem>>
      %dma_wait3A_856 = tpu.memref_squeeze %dma_wait3A_855 : memref<1x1x80x128xf32, #tpu.memory_space<vmem>> -> memref<80x128xf32, #tpu.memory_space<vmem>>
      %dma_wait3A_857 = tpu.memref_slice %arg5[%mul3A_624] : memref<25600xi32, #tpu.memory_space<vmem>> -> memref<80xi32, #tpu.memory_space<vmem>>
      %dma_wait3A_858 = arith.constant 0 : i32
      %dma_wait3A_859 = arith.constant 0 : i32
      %dma_wait3A_860 = tpu.memref_slice %arg3[%dma_wait3A_858, %dma_wait3A_859] : memref<100000x128xf32, #tpu.memory_space<hbm>> -> memref<100000x128xf32, #tpu.memory_space<hbm>>
      tpu.wait_indirect_dma semaphore(%arg13 : memref<!tpu.dma_semaphore, #tpu.memory_space<semaphore_mem>>) src(%dma_wait3A_860 : memref<100000x128xf32, #tpu.memory_space<hbm>>) dst(%dma_wait3A_856 : memref<80x128xf32, #tpu.memory_space<vmem>>)
      %add3A_861 = arith.constant 6 : i32
      %add3A_862 = arith.addi %mul3A_424, %add3A_861 : i32
      %add3A_863 = arith.constant 0 : i32
      %add3A_864 = arith.addi %add3A_862, %add3A_863 : i32
      %mul3A_865 = arith.constant 80 : i32
      %mul3A_866 = arith.muli %add3A_864, %mul3A_865 : i32
      %add3A_867 = arith.addi %mul3A_2, %mul3A_866 : i32
      %dma_start3A_868 = arith.constant 6 : i32
      %dma_start3A_869 = arith.constant 0 : i32
      %dma_start3A_870 = arith.constant 0 : i32
      %dma_start3A_871 = arith.constant 0 : i32
      %dma_start3A_872 = tpu.memref_slice %arg6[%dma_start3A_868, %dma_start3A_869, %dma_start3A_870, %dma_start3A_871] : memref<8x1x80x128xf32, #tpu.memory_space<vmem>> -> memref<1x1x80x128xf32, #tpu.memory_space<vmem>>
      %dma_start3A_873 = tpu.memref_squeeze %dma_start3A_872 : memref<1x1x80x128xf32, #tpu.memory_space<vmem>> -> memref<80x128xf32, #tpu.memory_space<vmem>>
      %dma_start3A_874 = arith.constant 0 : i32
      %dma_start3A_875 = tpu.memref_slice %arg4[%add3A_867, %dma_start3A_874] : memref<819200x128xf32, #tpu.memory_space<hbm>> -> memref<80x128xf32, #tpu.memory_space<hbm>>
      %dma_start3A_876 = arith.constant 0 : i32
      %dma_start3A_877 = tpu.memref_slice %arg4[%add3A_867, %dma_start3A_876] : memref<819200x128xf32, #tpu.memory_space<hbm>> -> memref<80x128xf32, #tpu.memory_space<hbm>>
      %dma_start3A_878 = arith.constant 0 : i32
      %dma_start3A_879 = arith.constant 0 : i32
      %dma_start3A_880 = tpu.memref_slice %arg6[%dma_start3A_868, %dma_start3A_869, %dma_start3A_878, %dma_start3A_879] : memref<8x1x80x128xf32, #tpu.memory_space<vmem>> -> memref<1x1x80x128xf32, #tpu.memory_space<vmem>>
      %dma_start3A_881 = tpu.memref_squeeze %dma_start3A_880 : memref<1x1x80x128xf32, #tpu.memory_space<vmem>> -> memref<80x128xf32, #tpu.memory_space<vmem>>
      tpu.enqueue_dma source(%dma_start3A_881 : memref<80x128xf32, #tpu.memory_space<vmem>>) target(%dma_start3A_877 : memref<80x128xf32, #tpu.memory_space<hbm>>) target_semaphore(%arg21 : memref<!tpu.dma_semaphore, #tpu.memory_space<semaphore_mem>>)
      %dma_wait3A_882 = arith.constant 7 : i32
      %dma_wait3A_883 = arith.constant 0 : i32
      %dma_wait3A_884 = arith.constant 0 : i32
      %dma_wait3A_885 = arith.constant 0 : i32
      %dma_wait3A_886 = tpu.memref_slice %arg6[%dma_wait3A_882, %dma_wait3A_883, %dma_wait3A_884, %dma_wait3A_885] : memref<8x1x80x128xf32, #tpu.memory_space<vmem>> -> memref<1x1x80x128xf32, #tpu.memory_space<vmem>>
      %dma_wait3A_887 = tpu.memref_squeeze %dma_wait3A_886 : memref<1x1x80x128xf32, #tpu.memory_space<vmem>> -> memref<80x128xf32, #tpu.memory_space<vmem>>
      %dma_wait3A_888 = tpu.memref_slice %arg5[%mul3A_654] : memref<25600xi32, #tpu.memory_space<vmem>> -> memref<80xi32, #tpu.memory_space<vmem>>
      %dma_wait3A_889 = arith.constant 0 : i32
      %dma_wait3A_890 = arith.constant 0 : i32
      %dma_wait3A_891 = tpu.memref_slice %arg3[%dma_wait3A_889, %dma_wait3A_890] : memref<100000x128xf32, #tpu.memory_space<hbm>> -> memref<100000x128xf32, #tpu.memory_space<hbm>>
      tpu.wait_indirect_dma semaphore(%arg14 : memref<!tpu.dma_semaphore, #tpu.memory_space<semaphore_mem>>) src(%dma_wait3A_891 : memref<100000x128xf32, #tpu.memory_space<hbm>>) dst(%dma_wait3A_887 : memref<80x128xf32, #tpu.memory_space<vmem>>)
      %add3A_892 = arith.constant 7 : i32
      %add3A_893 = arith.addi %mul3A_424, %add3A_892 : i32
      %add3A_894 = arith.constant 0 : i32
      %add3A_895 = arith.addi %add3A_893, %add3A_894 : i32
      %mul3A_896 = arith.constant 80 : i32
      %mul3A_897 = arith.muli %add3A_895, %mul3A_896 : i32
      %add3A_898 = arith.addi %mul3A_2, %mul3A_897 : i32
      %dma_start3A_899 = arith.constant 7 : i32
      %dma_start3A_900 = arith.constant 0 : i32
      %dma_start3A_901 = arith.constant 0 : i32
      %dma_start3A_902 = arith.constant 0 : i32
      %dma_start3A_903 = tpu.memref_slice %arg6[%dma_start3A_899, %dma_start3A_900, %dma_start3A_901, %dma_start3A_902] : memref<8x1x80x128xf32, #tpu.memory_space<vmem>> -> memref<1x1x80x128xf32, #tpu.memory_space<vmem>>
      %dma_start3A_904 = tpu.memref_squeeze %dma_start3A_903 : memref<1x1x80x128xf32, #tpu.memory_space<vmem>> -> memref<80x128xf32, #tpu.memory_space<vmem>>
      %dma_start3A_905 = arith.constant 0 : i32
      %dma_start3A_906 = tpu.memref_slice %arg4[%add3A_898, %dma_start3A_905] : memref<819200x128xf32, #tpu.memory_space<hbm>> -> memref<80x128xf32, #tpu.memory_space<hbm>>
      %dma_start3A_907 = arith.constant 0 : i32
      %dma_start3A_908 = tpu.memref_slice %arg4[%add3A_898, %dma_start3A_907] : memref<819200x128xf32, #tpu.memory_space<hbm>> -> memref<80x128xf32, #tpu.memory_space<hbm>>
      %dma_start3A_909 = arith.constant 0 : i32
      %dma_start3A_910 = arith.constant 0 : i32
      %dma_start3A_911 = tpu.memref_slice %arg6[%dma_start3A_899, %dma_start3A_900, %dma_start3A_909, %dma_start3A_910] : memref<8x1x80x128xf32, #tpu.memory_space<vmem>> -> memref<1x1x80x128xf32, #tpu.memory_space<vmem>>
      %dma_start3A_912 = tpu.memref_squeeze %dma_start3A_911 : memref<1x1x80x128xf32, #tpu.memory_space<vmem>> -> memref<80x128xf32, #tpu.memory_space<vmem>>
      tpu.enqueue_dma source(%dma_start3A_912 : memref<80x128xf32, #tpu.memory_space<vmem>>) target(%dma_start3A_908 : memref<80x128xf32, #tpu.memory_space<hbm>>) target_semaphore(%arg22 : memref<!tpu.dma_semaphore, #tpu.memory_space<semaphore_mem>>)
    }
    %scan3A_309 = arith.constant 39 : i32
    %dma_wait3A_310 = arith.constant 0 : i32
    %dma_wait3A_311 = arith.constant 0 : i32
    %dma_wait3A_312 = arith.constant 0 : i32
    %dma_wait3A_313 = arith.constant 0 : i32
    %dma_wait3A_314 = tpu.memref_slice %arg6[%dma_wait3A_310, %dma_wait3A_311, %dma_wait3A_312, %dma_wait3A_313] : memref<8x1x80x128xf32, #tpu.memory_space<vmem>> -> memref<1x1x80x128xf32, #tpu.memory_space<vmem>>
    %dma_wait3A_315 = tpu.memref_squeeze %dma_wait3A_314 : memref<1x1x80x128xf32, #tpu.memory_space<vmem>> -> memref<80x128xf32, #tpu.memory_space<vmem>>
    %dma_wait3A_316 = arith.constant 0 : i32
    %dma_wait3A_317 = tpu.memref_slice %arg4[%mul3A_2, %dma_wait3A_316] : memref<819200x128xf32, #tpu.memory_space<hbm>> -> memref<80x128xf32, #tpu.memory_space<hbm>>
    %dma_wait3A_318 = arith.constant 0 : i32
    %dma_wait3A_319 = tpu.memref_slice %arg4[%mul3A_2, %dma_wait3A_318] : memref<819200x128xf32, #tpu.memory_space<hbm>> -> memref<80x128xf32, #tpu.memory_space<hbm>>
    %dma_wait3A_320 = arith.constant 0 : i32
    %dma_wait3A_321 = arith.constant 0 : i32
    %dma_wait3A_322 = tpu.memref_slice %arg6[%dma_wait3A_310, %dma_wait3A_311, %dma_wait3A_320, %dma_wait3A_321] : memref<8x1x80x128xf32, #tpu.memory_space<vmem>> -> memref<1x1x80x128xf32, #tpu.memory_space<vmem>>
    %dma_wait3A_323 = tpu.memref_squeeze %dma_wait3A_322 : memref<1x1x80x128xf32, #tpu.memory_space<vmem>> -> memref<80x128xf32, #tpu.memory_space<vmem>>
    tpu.wait_dma2 semaphore(%arg15 : memref<!tpu.dma_semaphore, #tpu.memory_space<semaphore_mem>>) src(%dma_wait3A_323 : memref<80x128xf32, #tpu.memory_space<vmem>>) dst(%dma_wait3A_319 : memref<80x128xf32, #tpu.memory_space<hbm>>)
    %dma_wait3A_324 = arith.constant 1 : i32
    %dma_wait3A_325 = arith.constant 0 : i32
    %dma_wait3A_326 = arith.constant 0 : i32
    %dma_wait3A_327 = arith.constant 0 : i32
    %dma_wait3A_328 = tpu.memref_slice %arg6[%dma_wait3A_324, %dma_wait3A_325, %dma_wait3A_326, %dma_wait3A_327] : memref<8x1x80x128xf32, #tpu.memory_space<vmem>> -> memref<1x1x80x128xf32, #tpu.memory_space<vmem>>
    %dma_wait3A_329 = tpu.memref_squeeze %dma_wait3A_328 : memref<1x1x80x128xf32, #tpu.memory_space<vmem>> -> memref<80x128xf32, #tpu.memory_space<vmem>>
    %dma_wait3A_330 = arith.constant 0 : i32
    %dma_wait3A_331 = tpu.memref_slice %arg4[%mul3A_2, %dma_wait3A_330] : memref<819200x128xf32, #tpu.memory_space<hbm>> -> memref<80x128xf32, #tpu.memory_space<hbm>>
    %dma_wait3A_332 = arith.constant 0 : i32
    %dma_wait3A_333 = tpu.memref_slice %arg4[%mul3A_2, %dma_wait3A_332] : memref<819200x128xf32, #tpu.memory_space<hbm>> -> memref<80x128xf32, #tpu.memory_space<hbm>>
    %dma_wait3A_334 = arith.constant 0 : i32
    %dma_wait3A_335 = arith.constant 0 : i32
    %dma_wait3A_336 = tpu.memref_slice %arg6[%dma_wait3A_324, %dma_wait3A_325, %dma_wait3A_334, %dma_wait3A_335] : memref<8x1x80x128xf32, #tpu.memory_space<vmem>> -> memref<1x1x80x128xf32, #tpu.memory_space<vmem>>
    %dma_wait3A_337 = tpu.memref_squeeze %dma_wait3A_336 : memref<1x1x80x128xf32, #tpu.memory_space<vmem>> -> memref<80x128xf32, #tpu.memory_space<vmem>>
    tpu.wait_dma2 semaphore(%arg16 : memref<!tpu.dma_semaphore, #tpu.memory_space<semaphore_mem>>) src(%dma_wait3A_337 : memref<80x128xf32, #tpu.memory_space<vmem>>) dst(%dma_wait3A_333 : memref<80x128xf32, #tpu.memory_space<hbm>>)
    %dma_wait3A_338 = arith.constant 2 : i32
    %dma_wait3A_339 = arith.constant 0 : i32
    %dma_wait3A_340 = arith.constant 0 : i32
    %dma_wait3A_341 = arith.constant 0 : i32
    %dma_wait3A_342 = tpu.memref_slice %arg6[%dma_wait3A_338, %dma_wait3A_339, %dma_wait3A_340, %dma_wait3A_341] : memref<8x1x80x128xf32, #tpu.memory_space<vmem>> -> memref<1x1x80x128xf32, #tpu.memory_space<vmem>>
    %dma_wait3A_343 = tpu.memref_squeeze %dma_wait3A_342 : memref<1x1x80x128xf32, #tpu.memory_space<vmem>> -> memref<80x128xf32, #tpu.memory_space<vmem>>
    %dma_wait3A_344 = arith.constant 0 : i32
    %dma_wait3A_345 = tpu.memref_slice %arg4[%mul3A_2, %dma_wait3A_344] : memref<819200x128xf32, #tpu.memory_space<hbm>> -> memref<80x128xf32, #tpu.memory_space<hbm>>
    %dma_wait3A_346 = arith.constant 0 : i32
    %dma_wait3A_347 = tpu.memref_slice %arg4[%mul3A_2, %dma_wait3A_346] : memref<819200x128xf32, #tpu.memory_space<hbm>> -> memref<80x128xf32, #tpu.memory_space<hbm>>
    %dma_wait3A_348 = arith.constant 0 : i32
    %dma_wait3A_349 = arith.constant 0 : i32
    %dma_wait3A_350 = tpu.memref_slice %arg6[%dma_wait3A_338, %dma_wait3A_339, %dma_wait3A_348, %dma_wait3A_349] : memref<8x1x80x128xf32, #tpu.memory_space<vmem>> -> memref<1x1x80x128xf32, #tpu.memory_space<vmem>>
    %dma_wait3A_351 = tpu.memref_squeeze %dma_wait3A_350 : memref<1x1x80x128xf32, #tpu.memory_space<vmem>> -> memref<80x128xf32, #tpu.memory_space<vmem>>
    tpu.wait_dma2 semaphore(%arg17 : memref<!tpu.dma_semaphore, #tpu.memory_space<semaphore_mem>>) src(%dma_wait3A_351 : memref<80x128xf32, #tpu.memory_space<vmem>>) dst(%dma_wait3A_347 : memref<80x128xf32, #tpu.memory_space<hbm>>)
    %dma_wait3A_352 = arith.constant 3 : i32
    %dma_wait3A_353 = arith.constant 0 : i32
    %dma_wait3A_354 = arith.constant 0 : i32
    %dma_wait3A_355 = arith.constant 0 : i32
    %dma_wait3A_356 = tpu.memref_slice %arg6[%dma_wait3A_352, %dma_wait3A_353, %dma_wait3A_354, %dma_wait3A_355] : memref<8x1x80x128xf32, #tpu.memory_space<vmem>> -> memref<1x1x80x128xf32, #tpu.memory_space<vmem>>
    %dma_wait3A_357 = tpu.memref_squeeze %dma_wait3A_356 : memref<1x1x80x128xf32, #tpu.memory_space<vmem>> -> memref<80x128xf32, #tpu.memory_space<vmem>>
    %dma_wait3A_358 = arith.constant 0 : i32
    %dma_wait3A_359 = tpu.memref_slice %arg4[%mul3A_2, %dma_wait3A_358] : memref<819200x128xf32, #tpu.memory_space<hbm>> -> memref<80x128xf32, #tpu.memory_space<hbm>>
    %dma_wait3A_360 = arith.constant 0 : i32
    %dma_wait3A_361 = tpu.memref_slice %arg4[%mul3A_2, %dma_wait3A_360] : memref<819200x128xf32, #tpu.memory_space<hbm>> -> memref<80x128xf32, #tpu.memory_space<hbm>>
    %dma_wait3A_362 = arith.constant 0 : i32
    %dma_wait3A_363 = arith.constant 0 : i32
    %dma_wait3A_364 = tpu.memref_slice %arg6[%dma_wait3A_352, %dma_wait3A_353, %dma_wait3A_362, %dma_wait3A_363] : memref<8x1x80x128xf32, #tpu.memory_space<vmem>> -> memref<1x1x80x128xf32, #tpu.memory_space<vmem>>
    %dma_wait3A_365 = tpu.memref_squeeze %dma_wait3A_364 : memref<1x1x80x128xf32, #tpu.memory_space<vmem>> -> memref<80x128xf32, #tpu.memory_space<vmem>>
    tpu.wait_dma2 semaphore(%arg18 : memref<!tpu.dma_semaphore, #tpu.memory_space<semaphore_mem>>) src(%dma_wait3A_365 : memref<80x128xf32, #tpu.memory_space<vmem>>) dst(%dma_wait3A_361 : memref<80x128xf32, #tpu.memory_space<hbm>>)
    %dma_wait3A_366 = arith.constant 4 : i32
    %dma_wait3A_367 = arith.constant 0 : i32
    %dma_wait3A_368 = arith.constant 0 : i32
    %dma_wait3A_369 = arith.constant 0 : i32
    %dma_wait3A_370 = tpu.memref_slice %arg6[%dma_wait3A_366, %dma_wait3A_367, %dma_wait3A_368, %dma_wait3A_369] : memref<8x1x80x128xf32, #tpu.memory_space<vmem>> -> memref<1x1x80x128xf32, #tpu.memory_space<vmem>>
    %dma_wait3A_371 = tpu.memref_squeeze %dma_wait3A_370 : memref<1x1x80x128xf32, #tpu.memory_space<vmem>> -> memref<80x128xf32, #tpu.memory_space<vmem>>
    %dma_wait3A_372 = arith.constant 0 : i32
    %dma_wait3A_373 = tpu.memref_slice %arg4[%mul3A_2, %dma_wait3A_372] : memref<819200x128xf32, #tpu.memory_space<hbm>> -> memref<80x128xf32, #tpu.memory_space<hbm>>
    %dma_wait3A_374 = arith.constant 0 : i32
    %dma_wait3A_375 = tpu.memref_slice %arg4[%mul3A_2, %dma_wait3A_374] : memref<819200x128xf32, #tpu.memory_space<hbm>> -> memref<80x128xf32, #tpu.memory_space<hbm>>
    %dma_wait3A_376 = arith.constant 0 : i32
    %dma_wait3A_377 = arith.constant 0 : i32
    %dma_wait3A_378 = tpu.memref_slice %arg6[%dma_wait3A_366, %dma_wait3A_367, %dma_wait3A_376, %dma_wait3A_377] : memref<8x1x80x128xf32, #tpu.memory_space<vmem>> -> memref<1x1x80x128xf32, #tpu.memory_space<vmem>>
    %dma_wait3A_379 = tpu.memref_squeeze %dma_wait3A_378 : memref<1x1x80x128xf32, #tpu.memory_space<vmem>> -> memref<80x128xf32, #tpu.memory_space<vmem>>
    tpu.wait_dma2 semaphore(%arg19 : memref<!tpu.dma_semaphore, #tpu.memory_space<semaphore_mem>>) src(%dma_wait3A_379 : memref<80x128xf32, #tpu.memory_space<vmem>>) dst(%dma_wait3A_375 : memref<80x128xf32, #tpu.memory_space<hbm>>)
    %dma_wait3A_380 = arith.constant 5 : i32
    %dma_wait3A_381 = arith.constant 0 : i32
    %dma_wait3A_382 = arith.constant 0 : i32
    %dma_wait3A_383 = arith.constant 0 : i32
    %dma_wait3A_384 = tpu.memref_slice %arg6[%dma_wait3A_380, %dma_wait3A_381, %dma_wait3A_382, %dma_wait3A_383] : memref<8x1x80x128xf32, #tpu.memory_space<vmem>> -> memref<1x1x80x128xf32, #tpu.memory_space<vmem>>
    %dma_wait3A_385 = tpu.memref_squeeze %dma_wait3A_384 : memref<1x1x80x128xf32, #tpu.memory_space<vmem>> -> memref<80x128xf32, #tpu.memory_space<vmem>>
    %dma_wait3A_386 = arith.constant 0 : i32
    %dma_wait3A_387 = tpu.memref_slice %arg4[%mul3A_2, %dma_wait3A_386] : memref<819200x128xf32, #tpu.memory_space<hbm>> -> memref<80x128xf32, #tpu.memory_space<hbm>>
    %dma_wait3A_388 = arith.constant 0 : i32
    %dma_wait3A_389 = tpu.memref_slice %arg4[%mul3A_2, %dma_wait3A_388] : memref<819200x128xf32, #tpu.memory_space<hbm>> -> memref<80x128xf32, #tpu.memory_space<hbm>>
    %dma_wait3A_390 = arith.constant 0 : i32
    %dma_wait3A_391 = arith.constant 0 : i32
    %dma_wait3A_392 = tpu.memref_slice %arg6[%dma_wait3A_380, %dma_wait3A_381, %dma_wait3A_390, %dma_wait3A_391] : memref<8x1x80x128xf32, #tpu.memory_space<vmem>> -> memref<1x1x80x128xf32, #tpu.memory_space<vmem>>
    %dma_wait3A_393 = tpu.memref_squeeze %dma_wait3A_392 : memref<1x1x80x128xf32, #tpu.memory_space<vmem>> -> memref<80x128xf32, #tpu.memory_space<vmem>>
    tpu.wait_dma2 semaphore(%arg20 : memref<!tpu.dma_semaphore, #tpu.memory_space<semaphore_mem>>) src(%dma_wait3A_393 : memref<80x128xf32, #tpu.memory_space<vmem>>) dst(%dma_wait3A_389 : memref<80x128xf32, #tpu.memory_space<hbm>>)
    %dma_wait3A_394 = arith.constant 6 : i32
    %dma_wait3A_395 = arith.constant 0 : i32
    %dma_wait3A_396 = arith.constant 0 : i32
    %dma_wait3A_397 = arith.constant 0 : i32
    %dma_wait3A_398 = tpu.memref_slice %arg6[%dma_wait3A_394, %dma_wait3A_395, %dma_wait3A_396, %dma_wait3A_397] : memref<8x1x80x128xf32, #tpu.memory_space<vmem>> -> memref<1x1x80x128xf32, #tpu.memory_space<vmem>>
    %dma_wait3A_399 = tpu.memref_squeeze %dma_wait3A_398 : memref<1x1x80x128xf32, #tpu.memory_space<vmem>> -> memref<80x128xf32, #tpu.memory_space<vmem>>
    %dma_wait3A_400 = arith.constant 0 : i32
    %dma_wait3A_401 = tpu.memref_slice %arg4[%mul3A_2, %dma_wait3A_400] : memref<819200x128xf32, #tpu.memory_space<hbm>> -> memref<80x128xf32, #tpu.memory_space<hbm>>
    %dma_wait3A_402 = arith.constant 0 : i32
    %dma_wait3A_403 = tpu.memref_slice %arg4[%mul3A_2, %dma_wait3A_402] : memref<819200x128xf32, #tpu.memory_space<hbm>> -> memref<80x128xf32, #tpu.memory_space<hbm>>
    %dma_wait3A_404 = arith.constant 0 : i32
    %dma_wait3A_405 = arith.constant 0 : i32
    %dma_wait3A_406 = tpu.memref_slice %arg6[%dma_wait3A_394, %dma_wait3A_395, %dma_wait3A_404, %dma_wait3A_405] : memref<8x1x80x128xf32, #tpu.memory_space<vmem>> -> memref<1x1x80x128xf32, #tpu.memory_space<vmem>>
    %dma_wait3A_407 = tpu.memref_squeeze %dma_wait3A_406 : memref<1x1x80x128xf32, #tpu.memory_space<vmem>> -> memref<80x128xf32, #tpu.memory_space<vmem>>
    tpu.wait_dma2 semaphore(%arg21 : memref<!tpu.dma_semaphore, #tpu.memory_space<semaphore_mem>>) src(%dma_wait3A_407 : memref<80x128xf32, #tpu.memory_space<vmem>>) dst(%dma_wait3A_403 : memref<80x128xf32, #tpu.memory_space<hbm>>)
    %dma_wait3A_408 = arith.constant 7 : i32
    %dma_wait3A_409 = arith.constant 0 : i32
    %dma_wait3A_410 = arith.constant 0 : i32
    %dma_wait3A_411 = arith.constant 0 : i32
    %dma_wait3A_412 = tpu.memref_slice %arg6[%dma_wait3A_408, %dma_wait3A_409, %dma_wait3A_410, %dma_wait3A_411] : memref<8x1x80x128xf32, #tpu.memory_space<vmem>> -> memref<1x1x80x128xf32, #tpu.memory_space<vmem>>
    %dma_wait3A_413 = tpu.memref_squeeze %dma_wait3A_412 : memref<1x1x80x128xf32, #tpu.memory_space<vmem>> -> memref<80x128xf32, #tpu.memory_space<vmem>>
    %dma_wait3A_414 = arith.constant 0 : i32
    %dma_wait3A_415 = tpu.memref_slice %arg4[%mul3A_2, %dma_wait3A_414] : memref<819200x128xf32, #tpu.memory_space<hbm>> -> memref<80x128xf32, #tpu.memory_space<hbm>>
    %dma_wait3A_416 = arith.constant 0 : i32
    %dma_wait3A_417 = tpu.memref_slice %arg4[%mul3A_2, %dma_wait3A_416] : memref<819200x128xf32, #tpu.memory_space<hbm>> -> memref<80x128xf32, #tpu.memory_space<hbm>>
    %dma_wait3A_418 = arith.constant 0 : i32
    %dma_wait3A_419 = arith.constant 0 : i32
    %dma_wait3A_420 = tpu.memref_slice %arg6[%dma_wait3A_408, %dma_wait3A_409, %dma_wait3A_418, %dma_wait3A_419] : memref<8x1x80x128xf32, #tpu.memory_space<vmem>> -> memref<1x1x80x128xf32, #tpu.memory_space<vmem>>
    %dma_wait3A_421 = tpu.memref_squeeze %dma_wait3A_420 : memref<1x1x80x128xf32, #tpu.memory_space<vmem>> -> memref<80x128xf32, #tpu.memory_space<vmem>>
    tpu.wait_dma2 semaphore(%arg22 : memref<!tpu.dma_semaphore, #tpu.memory_space<semaphore_mem>>) src(%dma_wait3A_421 : memref<80x128xf32, #tpu.memory_space<vmem>>) dst(%dma_wait3A_417 : memref<80x128xf32, #tpu.memory_space<hbm>>)
    return
  }
}

</mosaic_0001>

<sc_bundles>
// kernel: _embed.3.cloned.1.call-start
scs
__scs_entry_jumppad:
0x0: {  	(pc) =	sbr.rel $0x88, $3  }
0x1: {  	(tag) =	ssettag $0x0;
	lr =	simm.s32 $0x1  }
0x2: {  	[smem:$0x3F9F] =	sst lr;
	_ =	strace $0xD0000000  }
0x3: {  	_ = 	snop  }
0x4: {  	_ = 	snop  }
0x5: {  	_ = 	snop  }
0x6: {  	_ = 	snop  }
0x7: {  	_ = 	snop  }
__scs_overlays_trampoline_lowered:
0x8: {  	[smem:$0x3FAE] =	sst s0  }
0x9: {  	[smem:$0x3FAF] =	sst s1  }
0xa: {  	[smem:$0x3FB0] =	sst s2  }
0xb: {  	[smem:$0x3FB1] =	sst s3  }
0xc: {  	[smem:$0x3FB2] =	sst s4  }
0xd: {  	[smem:$0x3FB3] =	sst s5  }
0xe: {  	[smem:$0x3FB4] =	sst s6  }
0xf: {  	[smem:$0x3FB5] =	sst s7  }
0x10: {  	[smem:$0x3FB6] =	sst s8  }
0x11: {  	[smem:$0x3FB7] =	sst s9;
	s0 =	simm.s32 @!p0 $0x0  }
0x12: {  	s1 =	sld [smem:$0x3F9D];
	s0 =	simm.s32 @p0 $0x1  }
0x13: {  	[smem:$0x3FB8] =	sst s0;
	s0 =	simm.s32 @!p1 $0x0  }
0x14: {  	s2 =	sld [smem:$0x3F9C];
	s0 =	simm.s32 @p1 $0x1  }
0x15: {  	[smem:$0x3FB9] =	sst s0;
	s0 =	simm.s32 @!p2 $0x0  }
0x16: {  	s3 =	sld [smem:$0x3FDB];
	s0 =	simm.s32 @p2 $0x1  }
0x17: {  	s4 =	simm.s32 $0x1BF5;
	[smem:$0x3FBB] =	sst s0  }
0x18: {  	s0 =	sld [smem:$0x3F9E];
	_ =	swait.ge [sflag:s4], $0x0  }
0x19: {  	s7 =	sld [smem:$0x3F9F]  }
0x1a: {  	s8 =	sadd.s32 $0xFFFFE003, lr  }
0x1b: {  	s9 =	sadd.s32 $0xFFFFFEF7, lr;
	s5 =	simm.s32 $0xFFFFFFFF;
	p2 =	slt.u32 s8, $0xFFFFF086  }
0x1c: {  	p1 =	slt.u32 s9, $0xF7A;
	s5 =	simm.s32 @!p2 $0x0  }
0x1d: {  	s5 =	simm.s32 @p1 $0x1;
	p0 =	seq.s32 s7, s2  }
0x1e: {  	s7 =	smul.u32 @!p0 $0xF7A, s2;
	p2 =	seq.s32 @!p0 s5, $0x0  }
0x1f: {  	s9 =	smul.u32 $0xF7A, s1;
	s8 =	simm.s32 @!p0 $0x1BF5;
	p2 =	por !p2, p0  }
0x20: {  	[sflag:s8] =	ssyncset.s32 @!p0 $0xFFFFF086;
	s6 =	sadd.s32 @!p0 s3, s7;
	s7 =	simm.s32 @!p0 $0x108  }
0x21: {  	s3 =	sadd.s32 s3, s9;
	s6 =	sadd.s32 @!p0 $0x88, s6;
	s7 =	simm.s32 @p2 $0x1082  }
0x22: {  	[simem:s7], [sflag:s8] =	dma.local @!p0 [hbm:s6], $0xF7A  }
0x23: {  	s9 =	sor.u32 $0xD0000000, s2;
	s6 =	simm.s32 $0x108;
	_ =	swait.ge @!p0 [sflag:s8], $0x0  }
0x24: {  	s3 =	sadd.s32 $0x88, s3;
	s6 =	simm.s32 @!p1 $0x1082;
	[sflag:s4] =	ssyncset.s32 $0xFFFFF086  }
0x25: {  	[simem:s6], [sflag:s4] =	dma.local [hbm:s3], $0xF7A  }
0x26: {  	[smem:$0x3F9F] =	sst s1;
	(tag) =	ssettag s2;
	_ =	strace s9  }
0x27: {  	s1 =	sld [smem:$0x3FAF]  }
0x28: {  	s2 =	sld [smem:$0x3FB0]  }
0x29: {  	s4 =	sld [smem:$0x3FB2]  }
0x2a: {  	p0 =	seq.s32 s5, $0x0;
	s5 =	sld [smem:$0x3FB3]  }
0x2b: {  	s6 =	sld [smem:$0x3FB4]  }
0x2c: {  	s7 =	sld [smem:$0x3FB5]  }
0x2d: {  	s3 =	simm.s32 $0x108;
	s8 =	sld [smem:$0x3FB6]  }
0x2e: {  	s3 =	simm.s32 @!p0 $0x1082;
	s9 =	sld [smem:$0x3FB7]  }
0x2f: {  	lr =	sadd.s32 s0, s3;
	s0 =	sld [smem:$0x3FAE]  }
0x30: {  	s3 =	sld [smem:$0x3FB1]  }
0x31: {  	[smem:$0x3FBA] =	sst s10  }
0x32: {  	s10 =	sld [smem:$0x3FB8];
	_ =	sdelay $0x3  }
0x33: {  	p0 =	seq.s32 s10, $0x1;
	s10 =	sld [smem:$0x3FBA];
	_ =	sdelay $0x3  }
0x34: {  	[smem:$0x3FBA] =	sst s10  }
0x35: {  	s10 =	sld [smem:$0x3FB9];
	_ =	sdelay $0x3  }
0x36: {  	p1 =	seq.s32 s10, $0x1;
	s10 =	sld [smem:$0x3FBA];
	_ =	sdelay $0x3  }
0x37: {  	[smem:$0x3FBA] =	sst s10  }
0x38: {  	s10 =	sld [smem:$0x3FBB]  }
0x39: {  	_ = 	snop;
	(pc) =	sbr.ind lr, $3  }
0x3a: {  	_ = 	snop  }
0x3b: {  	_ = 	snop  }
0x3c: {  	p2 =	seq.s32 s10, $0x1;
	s10 =	sld [smem:$0x3FBA]  }
0x3d: {  	_ =	shalt  }
0x3e: {  	_ =	shalt  }
0x3f: {  	_ =	shalt  }
0x40: {  	_ =	shalt  }
0x41: {  	_ =	shalt  }
0x42: {  	_ =	shalt  }
0x43: {  	_ =	shalt  }
0x44: {  	_ =	shalt  }
0x45: {  	_ =	shalt  }
0x46: {  	_ =	shalt  }
0x47: {  	_ =	shalt  }
0x48: {  	_ =	shalt  }
0x49: {  	_ =	shalt  }
0x4a: {  	_ =	shalt  }
0x4b: {  	_ =	shalt  }
0x4c: {  	_ =	shalt  }
0x4d: {  	_ =	shalt  }
0x4e: {  	_ =	shalt  }
0x4f: {  	_ =	shalt  }
0x50: {  	_ =	shalt  }
0x51: {  	_ =	shalt  }
0x52: {  	_ =	shalt  }
0x53: {  	_ =	shalt  }
0x54: {  	_ =	shalt  }
0x55: {  	_ =	shalt  }
0x56: {  	_ =	shalt  }
0x57: {  	_ =	shalt  }
0x58: {  	_ =	shalt  }
0x59: {  	_ =	shalt  }
0x5a: {  	_ =	shalt  }
0x5b: {  	_ =	shalt  }
0x5c: {  	_ =	shalt  }
0x5d: {  	_ =	shalt  }
0x5e: {  	_ =	shalt  }
0x5f: {  	_ =	shalt  }
0x60: {  	_ =	shalt  }
0x61: {  	_ =	shalt  }
0x62: {  	_ =	shalt  }
0x63: {  	_ =	shalt  }
0x64: {  	_ =	shalt  }
0x65: {  	_ =	shalt  }
0x66: {  	_ =	shalt  }
0x67: {  	_ =	shalt  }
0x68: {  	_ =	shalt  }
0x69: {  	_ =	shalt  }
0x6a: {  	_ =	shalt  }
0x6b: {  	_ =	shalt  }
0x6c: {  	_ =	shalt  }
0x6d: {  	_ =	shalt  }
0x6e: {  	_ =	shalt  }
0x6f: {  	_ =	shalt  }
0x70: {  	_ =	shalt  }
0x71: {  	_ =	shalt  }
0x72: {  	_ =	shalt  }
0x73: {  	_ =	shalt  }
0x74: {  	_ =	shalt  }
0x75: {  	_ =	shalt  }
0x76: {  	_ =	shalt  }
0x77: {  	_ =	shalt  }
0x78: {  	_ =	shalt  }
0x79: {  	_ =	shalt  }
0x7a: {  	_ =	shalt  }
0x7b: {  	_ =	shalt  }
0x7c: {  	_ =	shalt  }
0x7d: {  	_ =	shalt  }
0x7e: {  	_ =	shalt  }
0x7f: {  	_ =	shalt  }
0x80: {  	_ =	shalt  }
0x81: {  	_ =	shalt  }
0x82: {  	_ =	shalt  }
0x83: {  	_ =	shalt  }
0x84: {  	_ =	shalt  }
0x85: {  	_ =	shalt  }
0x86: {  	_ =	shalt  }
0x87: {  	_ =	shalt  }
.Lfunc_end0:
.L_simem_size_0:
called_computation_lowered:
.L_overlay_start_0:
0x88: {  	s2 =	sld [smem:$0x3FD9]  }
0x89: {  	s3 =	sld [smem:$0x3FFE];
	_ =	sdelay $0x1  }
0x8a: {  	s1 =	srdreg.scid  }
0x8b: {  	s0 =	sand.u32 $0x1, s1  }
0x8c: {  	s18 =	sshll.u32 s0, $0xA;
	s2 =	sadd.s32 s3, s2  }
0x8d: {  	s2 =	sadd.s32 s2, s18  }
0x8e: {  	[smem:$0x3FC6] =	sst s2  }
0x8f: {  	_ = 	snop  }
0x90: {  	s2 =	sld [smem:$0x3FC9]  }
0x91: {  	s19 =	sld [smem:$0x3FC8]  }
0x92: {  	s4 =	sld [smem:$0x3FD0];
	(tm) =	ssettm $0x1  }
0x93: {  	s5 =	sld [smem:$0x3FFB];
	_ =	sdelay $0x3  }
0x94: {  	_ =	strace s5  }
0x95: {  	s5 =	sld [smem:$0x3FFC];
	_ =	sdelay $0x3  }
0x96: {  	_ =	strace s5  }
0x97: {  	s5 =	sld [smem:$0x3FFD];
	_ =	sdelay $0x3  }
0x98: {  	_ =	strace s5  }
0x99: {  	_ =	strace $0x8FFFFFFF  }
0x9a: {  	s20 =	sld [smem:$0x3FDB];
	_ =	sdelay $0x1  }
0x9b: {  	s6 =	simm.s32 $_scs_section_size  }
0x9c: {  	s7 =	simm.s32 $_size__tile_overlayer_lowered;
	s8 =	simm.s32 $_tile_overlayer_lowered  }
0x9d: {  	s23 =	simm.s32 $0x1BFF;
	s22 =	sshll.u32 s8, $0x1;
	s5 =	sadd.s32 s6, s20  }
0x9e: {  	s9 =	simm.s32 $0x0;
	s21 =	sshll.u32 s7, $0x1;
	s7 =	sadd.s32 s22, s5  }
0x9f: {  	[timem:s9], [sflag:s23] =	dma.local [hbm:s7], s21  }
0xa0: {  	_ =	swait.ge [sflag:s23], s21  }
0xa1: {  	s6 =	ssub.s32 $0x0, s21;
	[sflag:s23] =	ssyncset.done $0x0  }
0xa2: {  	[sflag:s23] =	ssyncadd.s32 s6;
	_ =	sdelay $0x1  }
0xa3: {  	s24 =	simm.s32 $0x1B8B  }
0xa4: {  	_ =	swait.ge [sflag:s24], $0x1  }
0xa5: {  	[sflag:s24] =	ssyncset.done $0x0  }
0xa6: {  	s25 =	simm.s32 $0x1B8E;
	[sflag:s24] =	ssyncadd.s32 $0xFFFFFFFF  }
0xa7: {  	s26 =	simm.s32 $execute0_lowered;
	[smem:$0x3FD2] =	sst s25  }
0xa8: {  	s6 =	sshll.u32 s26, $0x1;
	_ =	strace $0x80000046;
	[dreg:$0x1] =	wrdreg $0xFFFFFFFF  }
0xa9: {  	s28 =	simm.s32 $_size_execute0_lowered;
	s5 =	sadd.s32 s5, s6;
	[dreg:$0x0] =	wrdreg $0x0  }
0xaa: {  	s6 =	sshll.u32 s28, $0x1;
	[dreg:$0x2] =	wrdreg s5  }
0xab: {  	[dreg:$0x3] =	wrdreg s6  }
0xac: {  	[dreg:$0x4] =	wrdreg $0xC0  }
0xad: {  	_ =	task [dreg:s9], $0x5FFFF  }
0xae: {  	[dreg:$0x1] =	wrdreg $0xFFFFFFFF  }
0xaf: {  	[dreg:$0x0] =	wrdreg $0x60  }
0xb0: {  	[dreg:$0x2] =	wrdreg s2  }
0xb1: {  	[dreg:$0x3] =	wrdreg s19  }
0xb2: {  	[dreg:$0x4] =	wrdreg s4  }
0xb3: {  	[dreg:$0x5] =	wrdreg $0x9  }
0xb4: {  	_ =	task.clear_ibuf [dreg:s9], $0x6FFFF;
	_ =	strace $0x90000046  }
0xb5: {  	s29 =	simm.s32 $0x9;
	_ =	strace $0x80000048  }
0xb6: {  	_ =	swait.ge [sflag:s29], $0x1  }
0xb7: {  	[sflag:s29] =	ssyncadd.s32 $0xFFFFFFFF  }
0xb8: {  	_ =	strace $0x90000048  }
0xb9: {  	_ =	sfence  }
0xba: {  	s30 =	sld [smem:$0x0];
	_ =	sdelay $0x2  }
0xbb: {  	s31 =	sshll.u32 s1, $0xD;
	s1 =	sshrl.u32 s1, $0x2  }
0xbc: {  	s3 =	sand.u32 $0x4000, s31;
	s1 =	sadd.s32 s1, s30  }
0xbd: {  	s0 =	sor.u32 s3, s0;
	s1 =	sshll.u32 s1, $0x11  }
0xbe: {  	s0 =	sor.u32 s1, s0  }
0xbf: {  	s0 =	sadd.s32 $0x8F2B, s0  }
0xc0: {  	[sflag:s0] =	ssyncadd.remote.s32 $0x1  }
0xc1: {  	_ =	sfence.sel $0xFFFF  }
0xc2: {  	[dreg:$0x0] =	wrdreg $0xFFFFFFFF;
	(pc) =	sbr.abs _section_cstart, $3  }
0xc3: {  	[dreg:$0x1] =	wrdreg $0xFFFFFFFF  }
0xc4: {  	_ =	task.clear_ibuf [dreg:s9], $0x2FFFF;
	_ =	strace $0x9FFFFFFF  }
0xc5: {  	(tm) =	ssettm $0x7FFFFFFF  }
tec
execute0_lowered:
.L_overlay_start_1:
0x0: {  	(tag) =	ssettag $0x1  }
0x1: {  	s0 =	rddreg [dreg:$0x0]  }
0x2: {  	s2 =	rddreg [dreg:$0x1];
	s1 =	srdreg.scid  }
0x3: {  	s9 =	stileid.u32;
	s4 =	rddreg [dreg:$0x2]  }
0x4: {  	s15 =	simm.s32 $0x50;
	s16 =	simm.s32 $0x6400;
	s17 =	simm.s32 $0x8C00  }
0x5: {  	s28 =	simm.s32 $0x15400;
	s1 =	sand.u32 $0x1, s1;
	s3 =	sshll.u32 s9, $0x1  }
0x6: {  	s30 =	simm.s32 $0x17C00;
	s31 =	simm.s32 $0x1;
	s5 =	sor.u32 s1, s3  }
0x7: {  	s29 =	simm.s32 $0x9;
	s10 =	simm.s32 $0xF;
	s7 =	smul.u32 $0x6400, s5  }
0x8: {  	s3 =	simm.s32 $0x0;
	s6 =	ssub.s32 $0x2, s1;
	s5 =	smul.u32 $0x64000, s5  }
0x9: {  	s11 =	simm.s32 $0x10;
	[smem:$0x7FF] =	sst s3;
	s8 =	sshrl.u32 s6, $0x1  }
0xa: {  	_ =	strace $0x80000047;
	s6 =	ssub.s32 s6, s8;
	s5 =	sadd.s32 s4, s5  }
0xb: {  	s7 =	sshrl.u32 s7, $0x3;
	s26 =	smax.u32 s6, $0x1;
	[dreg:$0x6] =	wrdreg s5  }
0xc: {  	s12 =	simm.s32 $0x0;
	s0 =	sadd.s32 s0, s7;
	[dreg:$0xe] =	wrdreg s26  }
0xd: {  	s18 =	smul.u32 $0xC8000, s9;
	s19 =	sadd.s32 $0x500, s5;
	[dreg:$0x5] =	wrdreg s0  }
0xe: {  	s9 =	simm.s32 $0xE;
	s20 =	sadd.s32 $0xA00, s5;
	[dreg:$0x7] =	wrdreg s19  }
0xf: {  	s1 =	smul.u32 $0x64000, s1;
	s21 =	sadd.s32 $0xF00, s5;
	[dreg:$0x8] =	wrdreg s20  }
0x10: {  	s8 =	simm.s32 $0xD;
	s22 =	sadd.s32 $0x1400, s5;
	[dreg:$0x9] =	wrdreg s21  }
0x11: {  	s6 =	simm.s32 $0xB;
	s23 =	sadd.s32 $0x1900, s5;
	[dreg:$0xa] =	wrdreg s22  }
0x12: {  	s24 =	sadd.s32 $0x1E00, s5;
	s25 =	sadd.s32 $0x2300, s5;
	[dreg:$0xb] =	wrdreg s23  }
0x13: {  	s26 =	simm.s32 $0x8;
	s7 =	simm.s32 $0xC;
	[dreg:$0xc] =	wrdreg s24  }
0x14: {  	s0 =	sadd.s32 s18, s4;
	[dreg:$0xd] =	wrdreg s25;
	s19 =	simm.s32 $0xB400  }
0x15: {  	s21 =	simm.s32 $0xDC00;
	s23 =	simm.s32 $0x10400;
	s25 =	simm.s32 $0x12C00  }
0x16: {  	s18 =	simm.s32 $0x4;
	s20 =	simm.s32 $0x5;
	s22 =	simm.s32 $0x6  }
0x17: {  	s24 =	simm.s32 $0x7;
	s4 =	simm.s32 $0xA;
	s0 =	sadd.s32 s1, s0  }
0x18: {  	s1 =	simm.s32 $0x2;
	[dreg:$0x4] =	wrdreg s0;
	s0 =	simm.s32 $0x3  }
.LBB2_1:
0x19: {  	[dreg:$0xf] =	wrdreg s12  }
0x1a: {  	s5 =	rddreg [dreg:$0x5];
	s12 =	simm.s32 $0x11  }
0x1b: {  	[tilespmem:s3], [sflag:$0x11] =	stream.linear.gather [hbm4b:s5+s3], $0x6400, $0x38;
	[tilespmem:$0x1A400] =	vst v63  }
0x1c: {  	_ =	swait.ge [sflag:s12], $0x6400  }
0x1d: {  	[sflag:s12] =	ssyncset.done $0x0  }
0x1e: {  	[sflag:s12] =	ssyncadd.s32 $0xFFFF9C00  }
0x1f: {  	[tilespmem:s16], [sflag:$0x1] =	stream.indirect.gather [hbm4b:s2+s15], $0x80, s3, s15, $0xb8;
	[tilespmem:$0x1A400] =	vst v63  }
0x20: {  	_ = 	snop  }
0x21: {  	[tilespmem:s17], [sflag:$0x2] =	stream.indirect.gather [hbm4b:s2+s15], $0x80, s15, s15, $0xb8;
	[tilespmem:$0x1A400] =	vst v63  }
0x22: {  	s13 =	simm.s32 $0xA0  }
0x23: {  	[tilespmem:s19], [sflag:$0x3] =	stream.indirect.gather [hbm4b:s2+s15], $0x80, s13, s15, $0xb8;
	[tilespmem:$0x1A400] =	vst v63  }
0x24: {  	s14 =	simm.s32 $0xF0  }
0x25: {  	[tilespmem:s21], [sflag:$0x4] =	stream.indirect.gather [hbm4b:s2+s15], $0x80, s14, s15, $0xb8;
	[tilespmem:$0x1A400] =	vst v63  }
0x26: {  	s12 =	simm.s32 $0x140  }
0x27: {  	[tilespmem:s23], [sflag:$0x5] =	stream.indirect.gather [hbm4b:s2+s15], $0x80, s12, s15, $0xb8;
	[tilespmem:$0x1A400] =	vst v63  }
0x28: {  	s13 =	simm.s32 $0x190  }
0x29: {  	[tilespmem:s25], [sflag:$0x6] =	stream.indirect.gather [hbm4b:s2+s15], $0x80, s13, s15, $0xb8;
	[tilespmem:$0x1A400] =	vst v63  }
0x2a: {  	s14 =	simm.s32 $0x1E0  }
0x2b: {  	[tilespmem:s28], [sflag:$0x7] =	stream.indirect.gather [hbm4b:s2+s15], $0x80, s14, s15, $0xb8;
	[tilespmem:$0x1A400] =	vst v63  }
0x2c: {  	s12 =	simm.s32 $0x230  }
0x2d: {  	[tilespmem:s30], [sflag:$0x8] =	stream.indirect.gather [hbm4b:s2+s15], $0x80, s12, s15, $0xb8;
	[tilespmem:$0x1A400] =	vst v63  }
0x2e: {  	_ =	swait.ge [sflag:s31], $0x2800  }
0x2f: {  	[sflag:s31] =	ssyncset.done $0x0  }
0x30: {  	s13 =	rddreg [dreg:$0x6];
	[sflag:s31] =	ssyncadd.s32 $0xFFFFD800  }
0x31: {  	[hbm4b:s13+s3] =	stream.linear.scatter [tilespmem:s16], [sflag:$0x9], $0x2800, $0x38;
	[tilespmem:$0x1A400] =	vst v63  }
0x32: {  	_ =	swait.ge [sflag:s1], $0x2800  }
0x33: {  	[sflag:s1] =	ssyncset.done $0x0  }
0x34: {  	s14 =	rddreg [dreg:$0x7];
	[sflag:s1] =	ssyncadd.s32 $0xFFFFD800  }
0x35: {  	[hbm4b:s14+s3] =	stream.linear.scatter [tilespmem:s17], [sflag:$0xA], $0x2800, $0x38;
	[tilespmem:$0x1A400] =	vst v63  }
0x36: {  	_ =	swait.ge [sflag:s0], $0x2800  }
0x37: {  	[sflag:s0] =	ssyncset.done $0x0  }
0x38: {  	s12 =	rddreg [dreg:$0x8];
	[sflag:s0] =	ssyncadd.s32 $0xFFFFD800  }
0x39: {  	[hbm4b:s12+s3] =	stream.linear.scatter [tilespmem:s19], [sflag:$0xB], $0x2800, $0x38;
	[tilespmem:$0x1A400] =	vst v63  }
0x3a: {  	_ =	swait.ge [sflag:s18], $0x2800  }
0x3b: {  	[sflag:s18] =	ssyncset.done $0x0  }
0x3c: {  	s13 =	rddreg [dreg:$0x9];
	[sflag:s18] =	ssyncadd.s32 $0xFFFFD800  }
0x3d: {  	[hbm4b:s13+s3] =	stream.linear.scatter [tilespmem:s21], [sflag:$0xC], $0x2800, $0x38;
	[tilespmem:$0x1A400] =	vst v63  }
0x3e: {  	_ =	swait.ge [sflag:s20], $0x2800  }
0x3f: {  	[sflag:s20] =	ssyncset.done $0x0  }
0x40: {  	s14 =	rddreg [dreg:$0xa];
	[sflag:s20] =	ssyncadd.s32 $0xFFFFD800  }
0x41: {  	[hbm4b:s14+s3] =	stream.linear.scatter [tilespmem:s23], [sflag:$0xD], $0x2800, $0x38;
	[tilespmem:$0x1A400] =	vst v63  }
0x42: {  	_ =	swait.ge [sflag:s22], $0x2800  }
0x43: {  	[sflag:s22] =	ssyncset.done $0x0  }
0x44: {  	s12 =	rddreg [dreg:$0xb];
	[sflag:s22] =	ssyncadd.s32 $0xFFFFD800  }
0x45: {  	[hbm4b:s12+s3] =	stream.linear.scatter [tilespmem:s25], [sflag:$0xE], $0x2800, $0x38;
	[tilespmem:$0x1A400] =	vst v63  }
0x46: {  	_ =	swait.ge [sflag:s24], $0x2800  }
0x47: {  	[sflag:s24] =	ssyncset.done $0x0  }
0x48: {  	s13 =	rddreg [dreg:$0xc];
	[sflag:s24] =	ssyncadd.s32 $0xFFFFD800  }
0x49: {  	[hbm4b:s13+s3] =	stream.linear.scatter [tilespmem:s28], [sflag:$0xF], $0x2800, $0x38;
	[tilespmem:$0x1A400] =	vst v63  }
0x4a: {  	_ =	swait.ge [sflag:s26], $0x2800  }
0x4b: {  	[sflag:s26] =	ssyncset.done $0x0  }
0x4c: {  	s14 =	rddreg [dreg:$0xd];
	[sflag:s26] =	ssyncadd.s32 $0xFFFFD800  }
0x4d: {  	[hbm4b:s14+s3] =	stream.linear.scatter [tilespmem:s30], [sflag:$0x10], $0x2800, $0x38;
	[tilespmem:$0x1A400] =	vst v63  }
0x4e: {  	_ =	swait.ge [sflag:s29], $0x2800  }
0x4f: {  	[sflag:s29] =	ssyncset.done $0x0  }
0x50: {  	s12 =	simm.s32 $0x280;
	[sflag:s29] =	ssyncadd.s32 $0xFFFFD800  }
0x51: {  	[tilespmem:s16], [sflag:$0x1] =	stream.indirect.gather [hbm4b:s2+s15], $0x80, s12, s15, $0xb8;
	[tilespmem:$0x1A400] =	vst v63  }
0x52: {  	_ =	swait.ge [sflag:s4], $0x2800  }
0x53: {  	[sflag:s4] =	ssyncset.done $0x0  }
0x54: {  	s13 =	simm.s32 $0x2D0;
	[sflag:s4] =	ssyncadd.s32 $0xFFFFD800  }
0x55: {  	[tilespmem:s17], [sflag:$0x2] =	stream.indirect.gather [hbm4b:s2+s15], $0x80, s13, s15, $0xb8;
	[tilespmem:$0x1A400] =	vst v63  }
0x56: {  	_ =	swait.ge [sflag:s6], $0x2800  }
0x57: {  	[sflag:s6] =	ssyncset.done $0x0  }
0x58: {  	s14 =	simm.s32 $0x320;
	[sflag:s6] =	ssyncadd.s32 $0xFFFFD800  }
0x59: {  	[tilespmem:s19], [sflag:$0x3] =	stream.indirect.gather [hbm4b:s2+s15], $0x80, s14, s15, $0xb8;
	[tilespmem:$0x1A400] =	vst v63  }
0x5a: {  	_ =	swait.ge [sflag:s7], $0x2800  }
0x5b: {  	[sflag:s7] =	ssyncset.done $0x0  }
0x5c: {  	s12 =	simm.s32 $0x370;
	[sflag:s7] =	ssyncadd.s32 $0xFFFFD800  }
0x5d: {  	[tilespmem:s21], [sflag:$0x4] =	stream.indirect.gather [hbm4b:s2+s15], $0x80, s12, s15, $0xb8;
	[tilespmem:$0x1A400] =	vst v63  }
0x5e: {  	_ =	swait.ge [sflag:s8], $0x2800  }
0x5f: {  	[sflag:s8] =	ssyncset.done $0x0  }
0x60: {  	s13 =	simm.s32 $0x3C0;
	[sflag:s8] =	ssyncadd.s32 $0xFFFFD800  }
0x61: {  	[tilespmem:s23], [sflag:$0x5] =	stream.indirect.gather [hbm4b:s2+s15], $0x80, s13, s15, $0xb8;
	[tilespmem:$0x1A400] =	vst v63  }
0x62: {  	_ =	swait.ge [sflag:s9], $0x2800  }
0x63: {  	[sflag:s9] =	ssyncset.done $0x0  }
0x64: {  	s14 =	simm.s32 $0x410;
	[sflag:s9] =	ssyncadd.s32 $0xFFFFD800  }
0x65: {  	[tilespmem:s25], [sflag:$0x6] =	stream.indirect.gather [hbm4b:s2+s15], $0x80, s14, s15, $0xb8;
	[tilespmem:$0x1A400] =	vst v63  }
0x66: {  	_ =	swait.ge [sflag:s10], $0x2800  }
0x67: {  	[sflag:s10] =	ssyncset.done $0x0  }
0x68: {  	s12 =	simm.s32 $0x460;
	[sflag:s10] =	ssyncadd.s32 $0xFFFFD800  }
0x69: {  	[tilespmem:s28], [sflag:$0x7] =	stream.indirect.gather [hbm4b:s2+s15], $0x80, s12, s15, $0xb8;
	[tilespmem:$0x1A400] =	vst v63  }
0x6a: {  	_ =	swait.ge [sflag:s11], $0x2800  }
0x6b: {  	[sflag:s11] =	ssyncset.done $0x0  }
0x6c: {  	s13 =	simm.s32 $0x4B0;
	[sflag:s11] =	ssyncadd.s32 $0xFFFFD800  }
0x6d: {  	[tilespmem:s30], [sflag:$0x8] =	stream.indirect.gather [hbm4b:s2+s15], $0x80, s13, s15, $0xb8;
	[tilespmem:$0x1A400] =	vst v63  }
0x6e: {  	_ =	swait.ge [sflag:s31], $0x2800  }
0x6f: {  	s14 =	rddreg [dreg:$0x4]  }
0x70: {  	[sflag:s31] =	ssyncset.done $0x0;
	s5 =	sadd.s32 $0x0, s14  }
0x71: {  	[sflag:s31] =	ssyncadd.s32 $0xFFFFD800;
	s13 =	sadd.s32 $0x2800, s5  }
0x72: {  	[hbm4b:s13+s3] =	stream.linear.scatter [tilespmem:s16], [sflag:$0x9], $0x2800, $0x38;
	[tilespmem:$0x1A400] =	vst v63  }
0x73: {  	_ =	swait.ge [sflag:s1], $0x2800  }
0x74: {  	[sflag:s1] =	ssyncset.done $0x0  }
0x75: {  	s12 =	sadd.s32 $0x2D00, s5;
	[sflag:s1] =	ssyncadd.s32 $0xFFFFD800  }
0x76: {  	[hbm4b:s12+s3] =	stream.linear.scatter [tilespmem:s17], [sflag:$0xA], $0x2800, $0x38;
	[tilespmem:$0x1A400] =	vst v63  }
0x77: {  	_ =	swait.ge [sflag:s0], $0x2800  }
0x78: {  	[sflag:s0] =	ssyncset.done $0x0  }
0x79: {  	s14 =	sadd.s32 $0x3200, s5;
	[sflag:s0] =	ssyncadd.s32 $0xFFFFD800  }
0x7a: {  	[hbm4b:s14+s3] =	stream.linear.scatter [tilespmem:s19], [sflag:$0xB], $0x2800, $0x38;
	[tilespmem:$0x1A400] =	vst v63  }
0x7b: {  	_ =	swait.ge [sflag:s18], $0x2800  }
0x7c: {  	[sflag:s18] =	ssyncset.done $0x0  }
0x7d: {  	s12 =	sadd.s32 $0x3700, s5;
	[sflag:s18] =	ssyncadd.s32 $0xFFFFD800  }
0x7e: {  	[hbm4b:s12+s3] =	stream.linear.scatter [tilespmem:s21], [sflag:$0xC], $0x2800, $0x38;
	[tilespmem:$0x1A400] =	vst v63  }
0x7f: {  	_ =	swait.ge [sflag:s20], $0x2800  }
0x80: {  	[sflag:s20] =	ssyncset.done $0x0  }
0x81: {  	s14 =	sadd.s32 $0x3C00, s5;
	[sflag:s20] =	ssyncadd.s32 $0xFFFFD800  }
0x82: {  	[hbm4b:s14+s3] =	stream.linear.scatter [tilespmem:s23], [sflag:$0xD], $0x2800, $0x38;
	[tilespmem:$0x1A400] =	vst v63  }
0x83: {  	_ =	swait.ge [sflag:s22], $0x2800  }
0x84: {  	[sflag:s22] =	ssyncset.done $0x0  }
0x85: {  	s12 =	sadd.s32 $0x4100, s5;
	[sflag:s22] =	ssyncadd.s32 $0xFFFFD800  }
0x86: {  	[hbm4b:s12+s3] =	stream.linear.scatter [tilespmem:s25], [sflag:$0xE], $0x2800, $0x38;
	[tilespmem:$0x1A400] =	vst v63  }
0x87: {  	_ =	swait.ge [sflag:s24], $0x2800  }
0x88: {  	[sflag:s24] =	ssyncset.done $0x0  }
0x89: {  	s14 =	sadd.s32 $0x4600, s5;
	[sflag:s24] =	ssyncadd.s32 $0xFFFFD800  }
0x8a: {  	[hbm4b:s14+s3] =	stream.linear.scatter [tilespmem:s28], [sflag:$0xF], $0x2800, $0x38;
	[tilespmem:$0x1A400] =	vst v63  }
0x8b: {  	_ =	swait.ge [sflag:s26], $0x2800  }
0x8c: {  	s13 =	simm.s32 $0x2800;
	[sflag:s26] =	ssyncset.done $0x0  }
0x8d: {  	s14 =	sadd.s32 $0x4B00, s5;
	s5 =	simm.s32 $0x730;
	[sflag:s26] =	ssyncadd.s32 $0xFFFFD800  }
.LBB2_2:
0x8e: {  	[hbm4b:s14+s3] =	stream.linear.scatter [tilespmem:s30], [sflag:$0x10], $0x2800, $0x38;
	[tilespmem:$0x1A400] =	vst v63  }
0x8f: {  	_ =	swait.ge [sflag:s29], $0x2800  }
0x90: {  	[sflag:s29] =	ssyncset.done $0x0  }
0x91: {  	s12 =	sadd.s32 $0xFFFFFDD0, s5;
	[sflag:s29] =	ssyncadd.s32 $0xFFFFD800  }
0x92: {  	[tilespmem:s16], [sflag:$0x1] =	stream.indirect.gather [hbm4b:s2+s15], $0x80, s12, s15, $0xb8;
	[tilespmem:$0x1A400] =	vst v63  }
0x93: {  	_ =	swait.ge [sflag:s4], $0x2800  }
0x94: {  	[sflag:s4] =	ssyncset.done $0x0  }
0x95: {  	s12 =	sadd.s32 $0xFFFFFE20, s5;
	[sflag:s4] =	ssyncadd.s32 $0xFFFFD800  }
0x96: {  	[tilespmem:s17], [sflag:$0x2] =	stream.indirect.gather [hbm4b:s2+s15], $0x80, s12, s15, $0xb8;
	[tilespmem:$0x1A400] =	vst v63  }
0x97: {  	_ =	swait.ge [sflag:s6], $0x2800  }
0x98: {  	[sflag:s6] =	ssyncset.done $0x0  }
0x99: {  	s12 =	sadd.s32 $0xFFFFFE70, s5;
	[sflag:s6] =	ssyncadd.s32 $0xFFFFD800  }
0x9a: {  	[tilespmem:s19], [sflag:$0x3] =	stream.indirect.gather [hbm4b:s2+s15], $0x80, s12, s15, $0xb8;
	[tilespmem:$0x1A400] =	vst v63  }
0x9b: {  	_ =	swait.ge [sflag:s7], $0x2800  }
0x9c: {  	[sflag:s7] =	ssyncset.done $0x0  }
0x9d: {  	s12 =	sadd.s32 $0xFFFFFEC0, s5;
	[sflag:s7] =	ssyncadd.s32 $0xFFFFD800  }
0x9e: {  	[tilespmem:s21], [sflag:$0x4] =	stream.indirect.gather [hbm4b:s2+s15], $0x80, s12, s15, $0xb8;
	[tilespmem:$0x1A400] =	vst v63  }
0x9f: {  	_ =	swait.ge [sflag:s8], $0x2800  }
0xa0: {  	[sflag:s8] =	ssyncset.done $0x0  }
0xa1: {  	s12 =	sadd.s32 $0xFFFFFF10, s5;
	[sflag:s8] =	ssyncadd.s32 $0xFFFFD800  }
0xa2: {  	[tilespmem:s23], [sflag:$0x5] =	stream.indirect.gather [hbm4b:s2+s15], $0x80, s12, s15, $0xb8;
	[tilespmem:$0x1A400] =	vst v63  }
0xa3: {  	_ =	swait.ge [sflag:s9], $0x2800  }
0xa4: {  	[sflag:s9] =	ssyncset.done $0x0  }
0xa5: {  	s12 =	sadd.s32 $0xFFFFFF60, s5;
	[sflag:s9] =	ssyncadd.s32 $0xFFFFD800  }
0xa6: {  	[tilespmem:s25], [sflag:$0x6] =	stream.indirect.gather [hbm4b:s2+s15], $0x80, s12, s15, $0xb8;
	[tilespmem:$0x1A400] =	vst v63  }
0xa7: {  	_ =	swait.ge [sflag:s10], $0x2800  }
0xa8: {  	[sflag:s10] =	ssyncset.done $0x0  }
0xa9: {  	s12 =	sadd.s32 $0xFFFFFFB0, s5;
	[sflag:s10] =	ssyncadd.s32 $0xFFFFD800  }
0xaa: {  	[tilespmem:s28], [sflag:$0x7] =	stream.indirect.gather [hbm4b:s2+s15], $0x80, s12, s15, $0xb8;
	[tilespmem:$0x1A400] =	vst v63  }
0xab: {  	_ =	swait.ge [sflag:s11], $0x2800  }
0xac: {  	[sflag:s11] =	ssyncset.done $0x0  }
0xad: {  	[sflag:s11] =	ssyncadd.s32 $0xFFFFD800  }
0xae: {  	[tilespmem:s30], [sflag:$0x8] =	stream.indirect.gather [hbm4b:s2+s15], $0x80, s5, s15, $0xb8;
	[tilespmem:$0x1A400] =	vst v63  }
0xaf: {  	_ =	swait.ge [sflag:s31], $0x2800  }
0xb0: {  	s14 =	smov.u32 s13;
	s12 =	rddreg [dreg:$0x4]  }
0xb1: {  	[sflag:s31] =	ssyncset.done $0x0;
	s14 =	sadd.s32 s14, s12  }
0xb2: {  	[sflag:s31] =	ssyncadd.s32 $0xFFFFD800;
	s12 =	sadd.s32 $0x2800, s14  }
0xb3: {  	[hbm4b:s12+s3] =	stream.linear.scatter [tilespmem:s16], [sflag:$0x9], $0x2800, $0x38;
	[tilespmem:$0x1A400] =	vst v63  }
0xb4: {  	_ =	swait.ge [sflag:s1], $0x2800  }
0xb5: {  	[sflag:s1] =	ssyncset.done $0x0  }
0xb6: {  	s12 =	sadd.s32 $0x2D00, s14;
	[sflag:s1] =	ssyncadd.s32 $0xFFFFD800  }
0xb7: {  	[hbm4b:s12+s3] =	stream.linear.scatter [tilespmem:s17], [sflag:$0xA], $0x2800, $0x38;
	[tilespmem:$0x1A400] =	vst v63  }
0xb8: {  	_ =	swait.ge [sflag:s0], $0x2800  }
0xb9: {  	[sflag:s0] =	ssyncset.done $0x0  }
0xba: {  	s12 =	sadd.s32 $0x3200, s14;
	[sflag:s0] =	ssyncadd.s32 $0xFFFFD800  }
0xbb: {  	[hbm4b:s12+s3] =	stream.linear.scatter [tilespmem:s19], [sflag:$0xB], $0x2800, $0x38;
	[tilespmem:$0x1A400] =	vst v63  }
0xbc: {  	_ =	swait.ge [sflag:s18], $0x2800  }
0xbd: {  	[sflag:s18] =	ssyncset.done $0x0  }
0xbe: {  	s12 =	sadd.s32 $0x3700, s14;
	[sflag:s18] =	ssyncadd.s32 $0xFFFFD800  }
0xbf: {  	[hbm4b:s12+s3] =	stream.linear.scatter [tilespmem:s21], [sflag:$0xC], $0x2800, $0x38;
	[tilespmem:$0x1A400] =	vst v63  }
0xc0: {  	_ =	swait.ge [sflag:s20], $0x2800  }
0xc1: {  	[sflag:s20] =	ssyncset.done $0x0  }
0xc2: {  	s12 =	sadd.s32 $0x3C00, s14;
	[sflag:s20] =	ssyncadd.s32 $0xFFFFD800  }
0xc3: {  	[hbm4b:s12+s3] =	stream.linear.scatter [tilespmem:s23], [sflag:$0xD], $0x2800, $0x38;
	[tilespmem:$0x1A400] =	vst v63  }
0xc4: {  	_ =	swait.ge [sflag:s22], $0x2800  }
0xc5: {  	[sflag:s22] =	ssyncset.done $0x0  }
0xc6: {  	s12 =	sadd.s32 $0x4100, s14;
	[sflag:s22] =	ssyncadd.s32 $0xFFFFD800  }
0xc7: {  	[hbm4b:s12+s3] =	stream.linear.scatter [tilespmem:s25], [sflag:$0xE], $0x2800, $0x38;
	[tilespmem:$0x1A400] =	vst v63  }
0xc8: {  	_ =	swait.ge [sflag:s24], $0x2800  }
0xc9: {  	p0 =	sne.s32 s13, $0x5F000;
	[sflag:s24] =	ssyncset.done $0x0  }
.Ltmp0:
0xca: {  	s12 =	sadd.s32 $0x4600, s14;
	[sflag:s24] =	ssyncadd.s32 $0xFFFFD800;
	(pc) =	sbr.rel @p0 .LBB2_2-.Ltmp0, $4  }
0xcb: {  	[hbm4b:s12+s3] =	stream.linear.scatter [tilespmem:s28], [sflag:$0xF], $0x2800, $0x38;
	[tilespmem:$0x1A400] =	vst v63  }
0xcc: {  	_ =	swait.ge [sflag:s26], $0x2800  }
0xcd: {  	s13 =	sadd.s32 $0x2800, s13;
	[sflag:s26] =	ssyncset.done $0x0  }
0xce: {  	s5 =	sadd.s32 $0x280, s5;
	s14 =	sadd.s32 $0x4B00, s14;
	[sflag:s26] =	ssyncadd.s32 $0xFFFFD800  }
0xcf: {  	[hbm4b:s14+s3] =	stream.linear.scatter [tilespmem:s30], [sflag:$0x10], $0x2800, $0x38;
	[tilespmem:$0x1A400] =	vst v63  }
0xd0: {  	_ =	swait.ge [sflag:s29], $0x2800  }
0xd1: {  	[sflag:s29] =	ssyncset.done $0x0  }
0xd2: {  	[sflag:s29] =	ssyncadd.s32 $0xFFFFD800  }
0xd3: {  	_ =	swait.ge [sflag:s4], $0x2800  }
0xd4: {  	[sflag:s4] =	ssyncset.done $0x0  }
0xd5: {  	[sflag:s4] =	ssyncadd.s32 $0xFFFFD800  }
0xd6: {  	_ =	swait.ge [sflag:s6], $0x2800  }
0xd7: {  	[sflag:s6] =	ssyncset.done $0x0  }
0xd8: {  	[sflag:s6] =	ssyncadd.s32 $0xFFFFD800  }
0xd9: {  	_ =	swait.ge [sflag:s7], $0x2800  }
0xda: {  	[sflag:s7] =	ssyncset.done $0x0  }
0xdb: {  	[sflag:s7] =	ssyncadd.s32 $0xFFFFD800  }
0xdc: {  	_ =	swait.ge [sflag:s8], $0x2800  }
0xdd: {  	[sflag:s8] =	ssyncset.done $0x0  }
0xde: {  	[sflag:s8] =	ssyncadd.s32 $0xFFFFD800  }
0xdf: {  	_ =	swait.ge [sflag:s9], $0x2800  }
0xe0: {  	[sflag:s9] =	ssyncset.done $0x0  }
0xe1: {  	[sflag:s9] =	ssyncadd.s32 $0xFFFFD800  }
0xe2: {  	_ =	swait.ge [sflag:s10], $0x2800  }
0xe3: {  	[sflag:s10] =	ssyncset.done $0x0  }
0xe4: {  	[sflag:s10] =	ssyncadd.s32 $0xFFFFD800  }
0xe5: {  	_ =	swait.ge [sflag:s11], $0x2800  }
0xe6: {  	s12 =	rddreg [dreg:$0xf]  }
0xe7: {  	s5 =	rddreg [dreg:$0xe];
	s12 =	sadd.s32 $0x1, s12  }
0xe8: {  	p0 =	sne.s32 s12, s5  }
.Ltmp1:
0xe9: {  	_ = 	snop;
	(pc) =	sbr.rel @p0 .LBB2_1-.Ltmp1, $3  }
0xea: {  	_ =	sdelay $0x1  }
0xeb: {  	[sflag:s11] =	ssyncset.done $0x0  }
0xec: {  	[sflag:s11] =	ssyncadd.s32 $0xFFFFD800  }
0xed: {  	_ =	sfence.sel $0x180000  }
0xee: {  	[bflag:$0x0] =	sbarrier.arrive $0xFFFF  }
0xef: {  	_ =	strace $0x90000047  }
0xf0: {  	s0 =	stileid.u32;
	[bflag:$0x2] =	sbarrier.arrive $0xFFFF  }
0xf1: {  	p0 =	sne.s32 s0, $0x0;
	s0 =	rddreg [dreg:$0x3]  }
0xf2: {  	s0 =	sadd.s32 @!p0 $0x100000, s0  }
0xf3: {  	[sflag:s0] =	ssyncadd.tile.s32 @!p0 $0x1;
	_ =	shalt  }
.Lfunc_end2:
_tile_overlayer_lowered:
.L_overlay_start_2:
0xf4: {  	(tag) =	ssettag $0x2  }
0xf5: {  	s0 =	rddreg [dreg:$0x0];
	s2 =	stileid.u32  }
0xf6: {  	s1 =	rddreg [dreg:$0x1];
	p0 =	sne.s32 s2, $0x0  }
0xf7: {  	s3 =	rddreg [dreg:$0x2];
	[bflag:$0x3] =	sbarrier.arrive $0xFFFF;
	s2 =	simm.s32 @!p0 $0x1C11  }
0xf8: {  	[timem:s3], [sflag:s2] =	dma.local @!p0 [hbm:s0], s1  }
0xf9: {  	s0 =	simm.s32 @!p0 $0x11  }
0xfa: {  	_ =	swait.ge @!p0 [sflag:s0], s1  }
0xfb: {  	s1 =	ssub.s32 @!p0 $0x0, s1;
	[sflag:s0] =	ssyncset.done @!p0 $0x0  }
0xfc: {  	[sflag:s0] =	ssyncadd.s32 @!p0 s1  }
0xfd: {  	[bflag:$0x3] =	sbarrier.arrive $0xFFFF  }
0xfe: {  	_ =	shalt  }

</sc_bundles>
